<compile_context>
chip_gen: v7x
topology: tpu7x:2x2x1
jax: 0.10.2.dev20260603
libtpu: 0.0.44.dev20260713+nightly
codegen_flags: <defaults>
</compile_context>

<pallas_src>
import functools

import jax
import jax.numpy as jnp
from jax import lax
from jax.experimental import pallas as pl
from jax.experimental.pallas import tpu as pltpu
from jax.experimental.pallas import tpu_sc as plsc

N_COARSE = 25000
N_FINE = 100000
D = 128

_INFO = plsc.get_sparse_core_info()
NC = _INFO.num_cores
NS = _INFO.num_subcores
NW = NC * NS

C = 200
NBUF = 4
QD = NBUF - 1
NCHUNK = N_FINE // C
FULL_ROUNDS = NCHUNK // NW
TAIL = FULL_ROUNDS
TAIL_WORKERS = NCHUNK - FULL_ROUNDS * NW

_mesh = plsc.VectorSubcoreMesh(core_axis_name="c", subcore_axis_name="s")


@functools.partial(
    pl.kernel,
    out_type=jax.ShapeDtypeStruct((N_FINE, D), jnp.float32),
    mesh=_mesh,
    scratch_types=(
        [pltpu.VMEM((C,), jnp.int32) for _ in range(NBUF)]
        + [pltpu.VMEM((C, D), jnp.float32) for _ in range(NBUF)]
        + [pltpu.SemaphoreType.DMA] * (3 * NBUF)
    ),
    compiler_params=pltpu.CompilerParams(needs_layout_passes=False),
)
def _gather_kernel(x_hbm, idx_hbm, out_hbm, *scratch):
    idx_v = scratch[:NBUF]
    rows_v = scratch[NBUF:2 * NBUF]
    isem = scratch[2 * NBUF:3 * NBUF]
    gsem = scratch[3 * NBUF:4 * NBUF]
    osem = scratch[4 * NBUF:5 * NBUF]

    wid = lax.axis_index("s") * NC + lax.axis_index("c")
    has_tail = wid < TAIL_WORKERS

    def idx_copy(r):
        b = r % NBUF
        return pltpu.make_async_copy(
            idx_hbm.at[pl.ds((wid + NW * r) * C, C)], idx_v[b], isem[b]
        )

    def gather_copy(r):
        b = r % NBUF
        return pltpu.make_async_copy(x_hbm.at[idx_v[b]], rows_v[b], gsem[b])

    def out_copy(r):
        b = r % NBUF
        return pltpu.make_async_copy(
            rows_v[b], out_hbm.at[pl.ds((wid + NW * r) * C, C)], osem[b]
        )

    def start(mk, r):
        mk(r).start()

    def guarded(fn):
        @pl.when(has_tail)
        def _():
            fn()

    def do(r, fn):
        if r < TAIL:
            fn()
        elif r == TAIL:
            guarded(fn)

    for r in range(min(NBUF, TAIL + 1)):
        do(r, functools.partial(start, idx_copy, r))
    for r in range(min(QD, TAIL + 1)):
        do(r, lambda: idx_copy(r).wait())
        do(r, functools.partial(start, gather_copy, r))

    for r in range(FULL_ROUNDS + 1):
        if r > TAIL:
            break
        if r >= 1:
            do(r - 1, lambda: out_copy(r - 1).wait())
        if r + QD <= TAIL:
            do(r + QD, lambda: idx_copy(r + QD).wait())
            do(r + QD, functools.partial(start, gather_copy, r + QD))
        do(r, lambda: gather_copy(r).wait())
        if r + NBUF <= TAIL:
            do(r + NBUF, functools.partial(start, idx_copy, r + NBUF))
        do(r, functools.partial(start, out_copy, r))

    do(TAIL, lambda: out_copy(TAIL).wait())


def kernel(x, upsamples):
    idx = upsamples[:, 0].astype(jnp.int32)
    return _gather_kernel(x, idx)

# --- scband reference (transcript-rebuilt; emitter-appended) ---
"""Pipeline reference for scband-nearest-upsample-block-42666205119322 (READ-ONLY COPY).

The authoritative reference and input builder live on the scoring server;
editing this copy changes nothing except your own understanding.
"""

import jax, jax.numpy as jnp
import numpy as np

N_COARSE = 25000
N_FINE = 100000
D = 128
K = 16

def setup_inputs(seed: int = 0) -> dict:
    key = jax.random.key(seed)
    k1, k2 = jax.random.split(key)
    x = jax.random.normal(k1, (N_COARSE, D), dtype=jnp.float32)
    upsamples = jax.random.randint(k2, (N_FINE, K), 0, N_COARSE, dtype=jnp.int64)
    return {"x": x, "upsamples": upsamples}

def reference(x, upsamples):
    # closest_pool (KPConv): pad x with a zero shadow row, then gather the
    # feature of the closest (first) neighbor for each upsampled location.
    x_pad = jnp.concatenate([x, jnp.zeros_like(x[:1, :])], axis=0)
    out = jnp.take(x_pad, upsamples[:, 0], axis=0)  # [N_FINE, D]
    return out

if __name__ == "__main__":
    import jax
    _d = setup_inputs()
    print(jax.jit(kernel)(*tuple(_d.values())))

</pallas_src>

<mosaic_0001>
#map = affine_map<(d0, d1) -> (0, 0)>
#map1 = affine_map<(d0, d1) -> (0)>
module attributes {stable_mosaic.version = 14 : i64} {
  func.func @_gather_kernel(%arg0: i32, %arg1: i32, %arg2: memref<25000x128xf32, #tpu.memory_space<hbm>>, %arg3: memref<100000xi32, #tpu.memory_space<hbm>>, %arg4: memref<100000x128xf32, #tpu.memory_space<hbm>>, %arg5: memref<200xi32, #tpu.memory_space<vmem>>, %arg6: memref<200xi32, #tpu.memory_space<vmem>>, %arg7: memref<200xi32, #tpu.memory_space<vmem>>, %arg8: memref<200xi32, #tpu.memory_space<vmem>>, %arg9: memref<200x128xf32, #tpu.memory_space<vmem>>, %arg10: memref<200x128xf32, #tpu.memory_space<vmem>>, %arg11: memref<200x128xf32, #tpu.memory_space<vmem>>, %arg12: memref<200x128xf32, #tpu.memory_space<vmem>>, %arg13: memref<!tpu.dma_semaphore, #tpu.memory_space<semaphore_mem>>, %arg14: memref<!tpu.dma_semaphore, #tpu.memory_space<semaphore_mem>>, %arg15: memref<!tpu.dma_semaphore, #tpu.memory_space<semaphore_mem>>, %arg16: memref<!tpu.dma_semaphore, #tpu.memory_space<semaphore_mem>>, %arg17: memref<!tpu.dma_semaphore, #tpu.memory_space<semaphore_mem>>, %arg18: memref<!tpu.dma_semaphore, #tpu.memory_space<semaphore_mem>>, %arg19: memref<!tpu.dma_semaphore, #tpu.memory_space<semaphore_mem>>, %arg20: memref<!tpu.dma_semaphore, #tpu.memory_space<semaphore_mem>>, %arg21: memref<!tpu.dma_semaphore, #tpu.memory_space<semaphore_mem>>, %arg22: memref<!tpu.dma_semaphore, #tpu.memory_space<semaphore_mem>>, %arg23: memref<!tpu.dma_semaphore, #tpu.memory_space<semaphore_mem>>, %arg24: memref<!tpu.dma_semaphore, #tpu.memory_space<semaphore_mem>>) attributes {dimension_semantics = [#tpu.dimension_semantics<core_parallel>, #tpu.dimension_semantics<subcore_parallel>], iteration_bounds = array<i64: 2, 16>, scalar_prefetch = 0 : i64, scratch_operands = 20 : i64, tpu.core_type = #tpu.core_type<sc_vector_subcore>, window_params = [{transform_indices = #map}, {transform_indices = #map1}, {transform_indices = #map}]} {
    %mul3A = arith.constant 2 : i32
    %mul3A_0 = arith.muli %arg1, %mul3A : i32
    %add3A = arith.addi %mul3A_0, %arg0 : i32
    %lt3A = arith.constant 20 : i32
    %lt3A_1 = arith.cmpi slt, %add3A, %lt3A : i32
    %add3A_2 = arith.constant 0 : i32
    %add3A_3 = arith.addi %add3A, %add3A_2 : i32
    %mul3A_4 = arith.constant 200 : i32
    %mul3A_5 = arith.muli %add3A_3, %mul3A_4 : i32
    %dma_start3A = tpu.memref_slice %arg3[%mul3A_5] : memref<100000xi32, #tpu.memory_space<hbm>> -> memref<200xi32, #tpu.memory_space<hbm>>
    %dma_start3A_6 = tpu.memref_slice %arg3[%mul3A_5] : memref<100000xi32, #tpu.memory_space<hbm>> -> memref<200xi32, #tpu.memory_space<hbm>>
    tpu.enqueue_dma source(%dma_start3A_6 : memref<200xi32, #tpu.memory_space<hbm>>) target(%arg5 : memref<200xi32, #tpu.memory_space<vmem>>) target_semaphore(%arg13 : memref<!tpu.dma_semaphore, #tpu.memory_space<semaphore_mem>>)
    %add3A_7 = arith.constant 32 : i32
    %add3A_8 = arith.addi %add3A, %add3A_7 : i32
    %mul3A_9 = arith.constant 200 : i32
    %mul3A_10 = arith.muli %add3A_8, %mul3A_9 : i32
    %dma_start3A_11 = tpu.memref_slice %arg3[%mul3A_10] : memref<100000xi32, #tpu.memory_space<hbm>> -> memref<200xi32, #tpu.memory_space<hbm>>
    %dma_start3A_12 = tpu.memref_slice %arg3[%mul3A_10] : memref<100000xi32, #tpu.memory_space<hbm>> -> memref<200xi32, #tpu.memory_space<hbm>>
    tpu.enqueue_dma source(%dma_start3A_12 : memref<200xi32, #tpu.memory_space<hbm>>) target(%arg6 : memref<200xi32, #tpu.memory_space<vmem>>) target_semaphore(%arg14 : memref<!tpu.dma_semaphore, #tpu.memory_space<semaphore_mem>>)
    %add3A_13 = arith.constant 64 : i32
    %add3A_14 = arith.addi %add3A, %add3A_13 : i32
    %mul3A_15 = arith.constant 200 : i32
    %mul3A_16 = arith.muli %add3A_14, %mul3A_15 : i32
    %dma_start3A_17 = tpu.memref_slice %arg3[%mul3A_16] : memref<100000xi32, #tpu.memory_space<hbm>> -> memref<200xi32, #tpu.memory_space<hbm>>
    %dma_start3A_18 = tpu.memref_slice %arg3[%mul3A_16] : memref<100000xi32, #tpu.memory_space<hbm>> -> memref<200xi32, #tpu.memory_space<hbm>>
    tpu.enqueue_dma source(%dma_start3A_18 : memref<200xi32, #tpu.memory_space<hbm>>) target(%arg7 : memref<200xi32, #tpu.memory_space<vmem>>) target_semaphore(%arg15 : memref<!tpu.dma_semaphore, #tpu.memory_space<semaphore_mem>>)
    %add3A_19 = arith.constant 96 : i32
    %add3A_20 = arith.addi %add3A, %add3A_19 : i32
    %mul3A_21 = arith.constant 200 : i32
    %mul3A_22 = arith.muli %add3A_20, %mul3A_21 : i32
    %dma_start3A_23 = tpu.memref_slice %arg3[%mul3A_22] : memref<100000xi32, #tpu.memory_space<hbm>> -> memref<200xi32, #tpu.memory_space<hbm>>
    %dma_start3A_24 = tpu.memref_slice %arg3[%mul3A_22] : memref<100000xi32, #tpu.memory_space<hbm>> -> memref<200xi32, #tpu.memory_space<hbm>>
    tpu.enqueue_dma source(%dma_start3A_24 : memref<200xi32, #tpu.memory_space<hbm>>) target(%arg8 : memref<200xi32, #tpu.memory_space<vmem>>) target_semaphore(%arg16 : memref<!tpu.dma_semaphore, #tpu.memory_space<semaphore_mem>>)
    %add3A_25 = arith.constant 0 : i32
    %add3A_26 = arith.addi %add3A, %add3A_25 : i32
    %mul3A_27 = arith.constant 200 : i32
    %mul3A_28 = arith.muli %add3A_26, %mul3A_27 : i32
    %dma_wait3A = tpu.memref_slice %arg3[%mul3A_28] : memref<100000xi32, #tpu.memory_space<hbm>> -> memref<200xi32, #tpu.memory_space<hbm>>
    %dma_wait3A_29 = tpu.memref_slice %arg3[%mul3A_28] : memref<100000xi32, #tpu.memory_space<hbm>> -> memref<200xi32, #tpu.memory_space<hbm>>
    tpu.wait_dma2 semaphore(%arg13 : memref<!tpu.dma_semaphore, #tpu.memory_space<semaphore_mem>>) src(%dma_wait3A_29 : memref<200xi32, #tpu.memory_space<hbm>>) dst(%arg5 : memref<200xi32, #tpu.memory_space<vmem>>)
    %dma_start3A_30 = arith.constant 0 : i32
    %dma_start3A_31 = arith.constant 0 : i32
    %dma_start3A_32 = tpu.memref_slice %arg2[%dma_start3A_30, %dma_start3A_31] : memref<25000x128xf32, #tpu.memory_space<hbm>> -> memref<25000x128xf32, #tpu.memory_space<hbm>>
    tpu.enqueue_indirect_dma source(%dma_start3A_32 : memref<25000x128xf32, #tpu.memory_space<hbm>>) target(%arg9 : memref<200x128xf32, #tpu.memory_space<vmem>>) offsets(%arg5 : memref<200xi32, #tpu.memory_space<vmem>>) semaphore(%arg17 : memref<!tpu.dma_semaphore, #tpu.memory_space<semaphore_mem>>)
    %add3A_33 = arith.constant 32 : i32
    %add3A_34 = arith.addi %add3A, %add3A_33 : i32
    %mul3A_35 = arith.constant 200 : i32
    %mul3A_36 = arith.muli %add3A_34, %mul3A_35 : i32
    %dma_wait3A_37 = tpu.memref_slice %arg3[%mul3A_36] : memref<100000xi32, #tpu.memory_space<hbm>> -> memref<200xi32, #tpu.memory_space<hbm>>
    %dma_wait3A_38 = tpu.memref_slice %arg3[%mul3A_36] : memref<100000xi32, #tpu.memory_space<hbm>> -> memref<200xi32, #tpu.memory_space<hbm>>
    tpu.wait_dma2 semaphore(%arg14 : memref<!tpu.dma_semaphore, #tpu.memory_space<semaphore_mem>>) src(%dma_wait3A_38 : memref<200xi32, #tpu.memory_space<hbm>>) dst(%arg6 : memref<200xi32, #tpu.memory_space<vmem>>)
    %dma_start3A_39 = arith.constant 0 : i32
    %dma_start3A_40 = arith.constant 0 : i32
    %dma_start3A_41 = tpu.memref_slice %arg2[%dma_start3A_39, %dma_start3A_40] : memref<25000x128xf32, #tpu.memory_space<hbm>> -> memref<25000x128xf32, #tpu.memory_space<hbm>>
    tpu.enqueue_indirect_dma source(%dma_start3A_41 : memref<25000x128xf32, #tpu.memory_space<hbm>>) target(%arg10 : memref<200x128xf32, #tpu.memory_space<vmem>>) offsets(%arg6 : memref<200xi32, #tpu.memory_space<vmem>>) semaphore(%arg18 : memref<!tpu.dma_semaphore, #tpu.memory_space<semaphore_mem>>)
    %add3A_42 = arith.constant 64 : i32
    %add3A_43 = arith.addi %add3A, %add3A_42 : i32
    %mul3A_44 = arith.constant 200 : i32
    %mul3A_45 = arith.muli %add3A_43, %mul3A_44 : i32
    %dma_wait3A_46 = tpu.memref_slice %arg3[%mul3A_45] : memref<100000xi32, #tpu.memory_space<hbm>> -> memref<200xi32, #tpu.memory_space<hbm>>
    %dma_wait3A_47 = tpu.memref_slice %arg3[%mul3A_45] : memref<100000xi32, #tpu.memory_space<hbm>> -> memref<200xi32, #tpu.memory_space<hbm>>
    tpu.wait_dma2 semaphore(%arg15 : memref<!tpu.dma_semaphore, #tpu.memory_space<semaphore_mem>>) src(%dma_wait3A_47 : memref<200xi32, #tpu.memory_space<hbm>>) dst(%arg7 : memref<200xi32, #tpu.memory_space<vmem>>)
    %dma_start3A_48 = arith.constant 0 : i32
    %dma_start3A_49 = arith.constant 0 : i32
    %dma_start3A_50 = tpu.memref_slice %arg2[%dma_start3A_48, %dma_start3A_49] : memref<25000x128xf32, #tpu.memory_space<hbm>> -> memref<25000x128xf32, #tpu.memory_space<hbm>>
    tpu.enqueue_indirect_dma source(%dma_start3A_50 : memref<25000x128xf32, #tpu.memory_space<hbm>>) target(%arg11 : memref<200x128xf32, #tpu.memory_space<vmem>>) offsets(%arg7 : memref<200xi32, #tpu.memory_space<vmem>>) semaphore(%arg19 : memref<!tpu.dma_semaphore, #tpu.memory_space<semaphore_mem>>)
    %add3A_51 = arith.constant 96 : i32
    %add3A_52 = arith.addi %add3A, %add3A_51 : i32
    %mul3A_53 = arith.constant 200 : i32
    %mul3A_54 = arith.muli %add3A_52, %mul3A_53 : i32
    %dma_wait3A_55 = tpu.memref_slice %arg3[%mul3A_54] : memref<100000xi32, #tpu.memory_space<hbm>> -> memref<200xi32, #tpu.memory_space<hbm>>
    %dma_wait3A_56 = tpu.memref_slice %arg3[%mul3A_54] : memref<100000xi32, #tpu.memory_space<hbm>> -> memref<200xi32, #tpu.memory_space<hbm>>
    tpu.wait_dma2 semaphore(%arg16 : memref<!tpu.dma_semaphore, #tpu.memory_space<semaphore_mem>>) src(%dma_wait3A_56 : memref<200xi32, #tpu.memory_space<hbm>>) dst(%arg8 : memref<200xi32, #tpu.memory_space<vmem>>)
    %dma_start3A_57 = arith.constant 0 : i32
    %dma_start3A_58 = arith.constant 0 : i32
    %dma_start3A_59 = tpu.memref_slice %arg2[%dma_start3A_57, %dma_start3A_58] : memref<25000x128xf32, #tpu.memory_space<hbm>> -> memref<25000x128xf32, #tpu.memory_space<hbm>>
    tpu.enqueue_indirect_dma source(%dma_start3A_59 : memref<25000x128xf32, #tpu.memory_space<hbm>>) target(%arg12 : memref<200x128xf32, #tpu.memory_space<vmem>>) offsets(%arg8 : memref<200xi32, #tpu.memory_space<vmem>>) semaphore(%arg20 : memref<!tpu.dma_semaphore, #tpu.memory_space<semaphore_mem>>)
    %dma_wait3A_60 = arith.constant 0 : i32
    %dma_wait3A_61 = arith.constant 0 : i32
    %dma_wait3A_62 = tpu.memref_slice %arg2[%dma_wait3A_60, %dma_wait3A_61] : memref<25000x128xf32, #tpu.memory_space<hbm>> -> memref<25000x128xf32, #tpu.memory_space<hbm>>
    tpu.wait_indirect_dma semaphore(%arg17 : memref<!tpu.dma_semaphore, #tpu.memory_space<semaphore_mem>>) src(%dma_wait3A_62 : memref<25000x128xf32, #tpu.memory_space<hbm>>) dst(%arg9 : memref<200x128xf32, #tpu.memory_space<vmem>>)
    %add3A_63 = arith.constant 128 : i32
    %add3A_64 = arith.addi %add3A, %add3A_63 : i32
    %mul3A_65 = arith.constant 200 : i32
    %mul3A_66 = arith.muli %add3A_64, %mul3A_65 : i32
    %dma_start3A_67 = tpu.memref_slice %arg3[%mul3A_66] : memref<100000xi32, #tpu.memory_space<hbm>> -> memref<200xi32, #tpu.memory_space<hbm>>
    %dma_start3A_68 = tpu.memref_slice %arg3[%mul3A_66] : memref<100000xi32, #tpu.memory_space<hbm>> -> memref<200xi32, #tpu.memory_space<hbm>>
    tpu.enqueue_dma source(%dma_start3A_68 : memref<200xi32, #tpu.memory_space<hbm>>) target(%arg5 : memref<200xi32, #tpu.memory_space<vmem>>) target_semaphore(%arg13 : memref<!tpu.dma_semaphore, #tpu.memory_space<semaphore_mem>>)
    %add3A_69 = arith.constant 0 : i32
    %add3A_70 = arith.addi %add3A, %add3A_69 : i32
    %mul3A_71 = arith.constant 200 : i32
    %mul3A_72 = arith.muli %add3A_70, %mul3A_71 : i32
    %dma_start3A_73 = arith.constant 0 : i32
    %dma_start3A_74 = tpu.memref_slice %arg4[%mul3A_72, %dma_start3A_73] : memref<100000x128xf32, #tpu.memory_space<hbm>> -> memref<200x128xf32, #tpu.memory_space<hbm>>
    %dma_start3A_75 = arith.constant 0 : i32
    %dma_start3A_76 = tpu.memref_slice %arg4[%mul3A_72, %dma_start3A_75] : memref<100000x128xf32, #tpu.memory_space<hbm>> -> memref<200x128xf32, #tpu.memory_space<hbm>>
    tpu.enqueue_dma source(%arg9 : memref<200x128xf32, #tpu.memory_space<vmem>>) target(%dma_start3A_76 : memref<200x128xf32, #tpu.memory_space<hbm>>) target_semaphore(%arg21 : memref<!tpu.dma_semaphore, #tpu.memory_space<semaphore_mem>>)
    %add3A_77 = arith.constant 0 : i32
    %add3A_78 = arith.addi %add3A, %add3A_77 : i32
    %mul3A_79 = arith.constant 200 : i32
    %mul3A_80 = arith.muli %add3A_78, %mul3A_79 : i32
    %dma_wait3A_81 = arith.constant 0 : i32
    %dma_wait3A_82 = tpu.memref_slice %arg4[%mul3A_80, %dma_wait3A_81] : memref<100000x128xf32, #tpu.memory_space<hbm>> -> memref<200x128xf32, #tpu.memory_space<hbm>>
    %dma_wait3A_83 = arith.constant 0 : i32
    %dma_wait3A_84 = tpu.memref_slice %arg4[%mul3A_80, %dma_wait3A_83] : memref<100000x128xf32, #tpu.memory_space<hbm>> -> memref<200x128xf32, #tpu.memory_space<hbm>>
    tpu.wait_dma2 semaphore(%arg21 : memref<!tpu.dma_semaphore, #tpu.memory_space<semaphore_mem>>) src(%arg9 : memref<200x128xf32, #tpu.memory_space<vmem>>) dst(%dma_wait3A_84 : memref<200x128xf32, #tpu.memory_space<hbm>>)
    %add3A_85 = arith.constant 128 : i32
    %add3A_86 = arith.addi %add3A, %add3A_85 : i32
    %mul3A_87 = arith.constant 200 : i32
    %mul3A_88 = arith.muli %add3A_86, %mul3A_87 : i32
    %dma_wait3A_89 = tpu.memref_slice %arg3[%mul3A_88] : memref<100000xi32, #tpu.memory_space<hbm>> -> memref<200xi32, #tpu.memory_space<hbm>>
    %dma_wait3A_90 = tpu.memref_slice %arg3[%mul3A_88] : memref<100000xi32, #tpu.memory_space<hbm>> -> memref<200xi32, #tpu.memory_space<hbm>>
    tpu.wait_dma2 semaphore(%arg13 : memref<!tpu.dma_semaphore, #tpu.memory_space<semaphore_mem>>) src(%dma_wait3A_90 : memref<200xi32, #tpu.memory_space<hbm>>) dst(%arg5 : memref<200xi32, #tpu.memory_space<vmem>>)
    %dma_start3A_91 = arith.constant 0 : i32
    %dma_start3A_92 = arith.constant 0 : i32
    %dma_start3A_93 = tpu.memref_slice %arg2[%dma_start3A_91, %dma_start3A_92] : memref<25000x128xf32, #tpu.memory_space<hbm>> -> memref<25000x128xf32, #tpu.memory_space<hbm>>
    tpu.enqueue_indirect_dma source(%dma_start3A_93 : memref<25000x128xf32, #tpu.memory_space<hbm>>) target(%arg9 : memref<200x128xf32, #tpu.memory_space<vmem>>) offsets(%arg5 : memref<200xi32, #tpu.memory_space<vmem>>) semaphore(%arg17 : memref<!tpu.dma_semaphore, #tpu.memory_space<semaphore_mem>>)
    %dma_wait3A_94 = arith.constant 0 : i32
    %dma_wait3A_95 = arith.constant 0 : i32
    %dma_wait3A_96 = tpu.memref_slice %arg2[%dma_wait3A_94, %dma_wait3A_95] : memref<25000x128xf32, #tpu.memory_space<hbm>> -> memref<25000x128xf32, #tpu.memory_space<hbm>>
    tpu.wait_indirect_dma semaphore(%arg18 : memref<!tpu.dma_semaphore, #tpu.memory_space<semaphore_mem>>) src(%dma_wait3A_96 : memref<25000x128xf32, #tpu.memory_space<hbm>>) dst(%arg10 : memref<200x128xf32, #tpu.memory_space<vmem>>)
    %add3A_97 = arith.constant 160 : i32
    %add3A_98 = arith.addi %add3A, %add3A_97 : i32
    %mul3A_99 = arith.constant 200 : i32
    %mul3A_100 = arith.muli %add3A_98, %mul3A_99 : i32
    %dma_start3A_101 = tpu.memref_slice %arg3[%mul3A_100] : memref<100000xi32, #tpu.memory_space<hbm>> -> memref<200xi32, #tpu.memory_space<hbm>>
    %dma_start3A_102 = tpu.memref_slice %arg3[%mul3A_100] : memref<100000xi32, #tpu.memory_space<hbm>> -> memref<200xi32, #tpu.memory_space<hbm>>
    tpu.enqueue_dma source(%dma_start3A_102 : memref<200xi32, #tpu.memory_space<hbm>>) target(%arg6 : memref<200xi32, #tpu.memory_space<vmem>>) target_semaphore(%arg14 : memref<!tpu.dma_semaphore, #tpu.memory_space<semaphore_mem>>)
    %add3A_103 = arith.constant 32 : i32
    %add3A_104 = arith.addi %add3A, %add3A_103 : i32
    %mul3A_105 = arith.constant 200 : i32
    %mul3A_106 = arith.muli %add3A_104, %mul3A_105 : i32
    %dma_start3A_107 = arith.constant 0 : i32
    %dma_start3A_108 = tpu.memref_slice %arg4[%mul3A_106, %dma_start3A_107] : memref<100000x128xf32, #tpu.memory_space<hbm>> -> memref<200x128xf32, #tpu.memory_space<hbm>>
    %dma_start3A_109 = arith.constant 0 : i32
    %dma_start3A_110 = tpu.memref_slice %arg4[%mul3A_106, %dma_start3A_109] : memref<100000x128xf32, #tpu.memory_space<hbm>> -> memref<200x128xf32, #tpu.memory_space<hbm>>
    tpu.enqueue_dma source(%arg10 : memref<200x128xf32, #tpu.memory_space<vmem>>) target(%dma_start3A_110 : memref<200x128xf32, #tpu.memory_space<hbm>>) target_semaphore(%arg22 : memref<!tpu.dma_semaphore, #tpu.memory_space<semaphore_mem>>)
    %add3A_111 = arith.constant 32 : i32
    %add3A_112 = arith.addi %add3A, %add3A_111 : i32
    %mul3A_113 = arith.constant 200 : i32
    %mul3A_114 = arith.muli %add3A_112, %mul3A_113 : i32
    %dma_wait3A_115 = arith.constant 0 : i32
    %dma_wait3A_116 = tpu.memref_slice %arg4[%mul3A_114, %dma_wait3A_115] : memref<100000x128xf32, #tpu.memory_space<hbm>> -> memref<200x128xf32, #tpu.memory_space<hbm>>
    %dma_wait3A_117 = arith.constant 0 : i32
    %dma_wait3A_118 = tpu.memref_slice %arg4[%mul3A_114, %dma_wait3A_117] : memref<100000x128xf32, #tpu.memory_space<hbm>> -> memref<200x128xf32, #tpu.memory_space<hbm>>
    tpu.wait_dma2 semaphore(%arg22 : memref<!tpu.dma_semaphore, #tpu.memory_space<semaphore_mem>>) src(%arg10 : memref<200x128xf32, #tpu.memory_space<vmem>>) dst(%dma_wait3A_118 : memref<200x128xf32, #tpu.memory_space<hbm>>)
    %add3A_119 = arith.constant 160 : i32
    %add3A_120 = arith.addi %add3A, %add3A_119 : i32
    %mul3A_121 = arith.constant 200 : i32
    %mul3A_122 = arith.muli %add3A_120, %mul3A_121 : i32
    %dma_wait3A_123 = tpu.memref_slice %arg3[%mul3A_122] : memref<100000xi32, #tpu.memory_space<hbm>> -> memref<200xi32, #tpu.memory_space<hbm>>
    %dma_wait3A_124 = tpu.memref_slice %arg3[%mul3A_122] : memref<100000xi32, #tpu.memory_space<hbm>> -> memref<200xi32, #tpu.memory_space<hbm>>
    tpu.wait_dma2 semaphore(%arg14 : memref<!tpu.dma_semaphore, #tpu.memory_space<semaphore_mem>>) src(%dma_wait3A_124 : memref<200xi32, #tpu.memory_space<hbm>>) dst(%arg6 : memref<200xi32, #tpu.memory_space<vmem>>)
    %dma_start3A_125 = arith.constant 0 : i32
    %dma_start3A_126 = arith.constant 0 : i32
    %dma_start3A_127 = tpu.memref_slice %arg2[%dma_start3A_125, %dma_start3A_126] : memref<25000x128xf32, #tpu.memory_space<hbm>> -> memref<25000x128xf32, #tpu.memory_space<hbm>>
    tpu.enqueue_indirect_dma source(%dma_start3A_127 : memref<25000x128xf32, #tpu.memory_space<hbm>>) target(%arg10 : memref<200x128xf32, #tpu.memory_space<vmem>>) offsets(%arg6 : memref<200xi32, #tpu.memory_space<vmem>>) semaphore(%arg18 : memref<!tpu.dma_semaphore, #tpu.memory_space<semaphore_mem>>)
    %dma_wait3A_128 = arith.constant 0 : i32
    %dma_wait3A_129 = arith.constant 0 : i32
    %dma_wait3A_130 = tpu.memref_slice %arg2[%dma_wait3A_128, %dma_wait3A_129] : memref<25000x128xf32, #tpu.memory_space<hbm>> -> memref<25000x128xf32, #tpu.memory_space<hbm>>
    tpu.wait_indirect_dma semaphore(%arg19 : memref<!tpu.dma_semaphore, #tpu.memory_space<semaphore_mem>>) src(%dma_wait3A_130 : memref<25000x128xf32, #tpu.memory_space<hbm>>) dst(%arg11 : memref<200x128xf32, #tpu.memory_space<vmem>>)
    %add3A_131 = arith.constant 192 : i32
    %add3A_132 = arith.addi %add3A, %add3A_131 : i32
    %mul3A_133 = arith.constant 200 : i32
    %mul3A_134 = arith.muli %add3A_132, %mul3A_133 : i32
    %dma_start3A_135 = tpu.memref_slice %arg3[%mul3A_134] : memref<100000xi32, #tpu.memory_space<hbm>> -> memref<200xi32, #tpu.memory_space<hbm>>
    %dma_start3A_136 = tpu.memref_slice %arg3[%mul3A_134] : memref<100000xi32, #tpu.memory_space<hbm>> -> memref<200xi32, #tpu.memory_space<hbm>>
    tpu.enqueue_dma source(%dma_start3A_136 : memref<200xi32, #tpu.memory_space<hbm>>) target(%arg7 : memref<200xi32, #tpu.memory_space<vmem>>) target_semaphore(%arg15 : memref<!tpu.dma_semaphore, #tpu.memory_space<semaphore_mem>>)
    %add3A_137 = arith.constant 64 : i32
    %add3A_138 = arith.addi %add3A, %add3A_137 : i32
    %mul3A_139 = arith.constant 200 : i32
    %mul3A_140 = arith.muli %add3A_138, %mul3A_139 : i32
    %dma_start3A_141 = arith.constant 0 : i32
    %dma_start3A_142 = tpu.memref_slice %arg4[%mul3A_140, %dma_start3A_141] : memref<100000x128xf32, #tpu.memory_space<hbm>> -> memref<200x128xf32, #tpu.memory_space<hbm>>
    %dma_start3A_143 = arith.constant 0 : i32
    %dma_start3A_144 = tpu.memref_slice %arg4[%mul3A_140, %dma_start3A_143] : memref<100000x128xf32, #tpu.memory_space<hbm>> -> memref<200x128xf32, #tpu.memory_space<hbm>>
    tpu.enqueue_dma source(%arg11 : memref<200x128xf32, #tpu.memory_space<vmem>>) target(%dma_start3A_144 : memref<200x128xf32, #tpu.memory_space<hbm>>) target_semaphore(%arg23 : memref<!tpu.dma_semaphore, #tpu.memory_space<semaphore_mem>>)
    %add3A_145 = arith.constant 64 : i32
    %add3A_146 = arith.addi %add3A, %add3A_145 : i32
    %mul3A_147 = arith.constant 200 : i32
    %mul3A_148 = arith.muli %add3A_146, %mul3A_147 : i32
    %dma_wait3A_149 = arith.constant 0 : i32
    %dma_wait3A_150 = tpu.memref_slice %arg4[%mul3A_148, %dma_wait3A_149] : memref<100000x128xf32, #tpu.memory_space<hbm>> -> memref<200x128xf32, #tpu.memory_space<hbm>>
    %dma_wait3A_151 = arith.constant 0 : i32
    %dma_wait3A_152 = tpu.memref_slice %arg4[%mul3A_148, %dma_wait3A_151] : memref<100000x128xf32, #tpu.memory_space<hbm>> -> memref<200x128xf32, #tpu.memory_space<hbm>>
    tpu.wait_dma2 semaphore(%arg23 : memref<!tpu.dma_semaphore, #tpu.memory_space<semaphore_mem>>) src(%arg11 : memref<200x128xf32, #tpu.memory_space<vmem>>) dst(%dma_wait3A_152 : memref<200x128xf32, #tpu.memory_space<hbm>>)
    %add3A_153 = arith.constant 192 : i32
    %add3A_154 = arith.addi %add3A, %add3A_153 : i32
    %mul3A_155 = arith.constant 200 : i32
    %mul3A_156 = arith.muli %add3A_154, %mul3A_155 : i32
    %dma_wait3A_157 = tpu.memref_slice %arg3[%mul3A_156] : memref<100000xi32, #tpu.memory_space<hbm>> -> memref<200xi32, #tpu.memory_space<hbm>>
    %dma_wait3A_158 = tpu.memref_slice %arg3[%mul3A_156] : memref<100000xi32, #tpu.memory_space<hbm>> -> memref<200xi32, #tpu.memory_space<hbm>>
    tpu.wait_dma2 semaphore(%arg15 : memref<!tpu.dma_semaphore, #tpu.memory_space<semaphore_mem>>) src(%dma_wait3A_158 : memref<200xi32, #tpu.memory_space<hbm>>) dst(%arg7 : memref<200xi32, #tpu.memory_space<vmem>>)
    %dma_start3A_159 = arith.constant 0 : i32
    %dma_start3A_160 = arith.constant 0 : i32
    %dma_start3A_161 = tpu.memref_slice %arg2[%dma_start3A_159, %dma_start3A_160] : memref<25000x128xf32, #tpu.memory_space<hbm>> -> memref<25000x128xf32, #tpu.memory_space<hbm>>
    tpu.enqueue_indirect_dma source(%dma_start3A_161 : memref<25000x128xf32, #tpu.memory_space<hbm>>) target(%arg11 : memref<200x128xf32, #tpu.memory_space<vmem>>) offsets(%arg7 : memref<200xi32, #tpu.memory_space<vmem>>) semaphore(%arg19 : memref<!tpu.dma_semaphore, #tpu.memory_space<semaphore_mem>>)
    %dma_wait3A_162 = arith.constant 0 : i32
    %dma_wait3A_163 = arith.constant 0 : i32
    %dma_wait3A_164 = tpu.memref_slice %arg2[%dma_wait3A_162, %dma_wait3A_163] : memref<25000x128xf32, #tpu.memory_space<hbm>> -> memref<25000x128xf32, #tpu.memory_space<hbm>>
    tpu.wait_indirect_dma semaphore(%arg20 : memref<!tpu.dma_semaphore, #tpu.memory_space<semaphore_mem>>) src(%dma_wait3A_164 : memref<25000x128xf32, #tpu.memory_space<hbm>>) dst(%arg12 : memref<200x128xf32, #tpu.memory_space<vmem>>)
    %add3A_165 = arith.constant 224 : i32
    %add3A_166 = arith.addi %add3A, %add3A_165 : i32
    %mul3A_167 = arith.constant 200 : i32
    %mul3A_168 = arith.muli %add3A_166, %mul3A_167 : i32
    %dma_start3A_169 = tpu.memref_slice %arg3[%mul3A_168] : memref<100000xi32, #tpu.memory_space<hbm>> -> memref<200xi32, #tpu.memory_space<hbm>>
    %dma_start3A_170 = tpu.memref_slice %arg3[%mul3A_168] : memref<100000xi32, #tpu.memory_space<hbm>> -> memref<200xi32, #tpu.memory_space<hbm>>
    tpu.enqueue_dma source(%dma_start3A_170 : memref<200xi32, #tpu.memory_space<hbm>>) target(%arg8 : memref<200xi32, #tpu.memory_space<vmem>>) target_semaphore(%arg16 : memref<!tpu.dma_semaphore, #tpu.memory_space<semaphore_mem>>)
    %add3A_171 = arith.constant 96 : i32
    %add3A_172 = arith.addi %add3A, %add3A_171 : i32
    %mul3A_173 = arith.constant 200 : i32
    %mul3A_174 = arith.muli %add3A_172, %mul3A_173 : i32
    %dma_start3A_175 = arith.constant 0 : i32
    %dma_start3A_176 = tpu.memref_slice %arg4[%mul3A_174, %dma_start3A_175] : memref<100000x128xf32, #tpu.memory_space<hbm>> -> memref<200x128xf32, #tpu.memory_space<hbm>>
    %dma_start3A_177 = arith.constant 0 : i32
    %dma_start3A_178 = tpu.memref_slice %arg4[%mul3A_174, %dma_start3A_177] : memref<100000x128xf32, #tpu.memory_space<hbm>> -> memref<200x128xf32, #tpu.memory_space<hbm>>
    tpu.enqueue_dma source(%arg12 : memref<200x128xf32, #tpu.memory_space<vmem>>) target(%dma_start3A_178 : memref<200x128xf32, #tpu.memory_space<hbm>>) target_semaphore(%arg24 : memref<!tpu.dma_semaphore, #tpu.memory_space<semaphore_mem>>)
    %add3A_179 = arith.constant 96 : i32
    %add3A_180 = arith.addi %add3A, %add3A_179 : i32
    %mul3A_181 = arith.constant 200 : i32
    %mul3A_182 = arith.muli %add3A_180, %mul3A_181 : i32
    %dma_wait3A_183 = arith.constant 0 : i32
    %dma_wait3A_184 = tpu.memref_slice %arg4[%mul3A_182, %dma_wait3A_183] : memref<100000x128xf32, #tpu.memory_space<hbm>> -> memref<200x128xf32, #tpu.memory_space<hbm>>
    %dma_wait3A_185 = arith.constant 0 : i32
    %dma_wait3A_186 = tpu.memref_slice %arg4[%mul3A_182, %dma_wait3A_185] : memref<100000x128xf32, #tpu.memory_space<hbm>> -> memref<200x128xf32, #tpu.memory_space<hbm>>
    tpu.wait_dma2 semaphore(%arg24 : memref<!tpu.dma_semaphore, #tpu.memory_space<semaphore_mem>>) src(%arg12 : memref<200x128xf32, #tpu.memory_space<vmem>>) dst(%dma_wait3A_186 : memref<200x128xf32, #tpu.memory_space<hbm>>)
    %add3A_187 = arith.constant 224 : i32
    %add3A_188 = arith.addi %add3A, %add3A_187 : i32
    %mul3A_189 = arith.constant 200 : i32
    %mul3A_190 = arith.muli %add3A_188, %mul3A_189 : i32
    %dma_wait3A_191 = tpu.memref_slice %arg3[%mul3A_190] : memref<100000xi32, #tpu.memory_space<hbm>> -> memref<200xi32, #tpu.memory_space<hbm>>
    %dma_wait3A_192 = tpu.memref_slice %arg3[%mul3A_190] : memref<100000xi32, #tpu.memory_space<hbm>> -> memref<200xi32, #tpu.memory_space<hbm>>
    tpu.wait_dma2 semaphore(%arg16 : memref<!tpu.dma_semaphore, #tpu.memory_space<semaphore_mem>>) src(%dma_wait3A_192 : memref<200xi32, #tpu.memory_space<hbm>>) dst(%arg8 : memref<200xi32, #tpu.memory_space<vmem>>)
    %dma_start3A_193 = arith.constant 0 : i32
    %dma_start3A_194 = arith.constant 0 : i32
    %dma_start3A_195 = tpu.memref_slice %arg2[%dma_start3A_193, %dma_start3A_194] : memref<25000x128xf32, #tpu.memory_space<hbm>> -> memref<25000x128xf32, #tpu.memory_space<hbm>>
    tpu.enqueue_indirect_dma source(%dma_start3A_195 : memref<25000x128xf32, #tpu.memory_space<hbm>>) target(%arg12 : memref<200x128xf32, #tpu.memory_space<vmem>>) offsets(%arg8 : memref<200xi32, #tpu.memory_space<vmem>>) semaphore(%arg20 : memref<!tpu.dma_semaphore, #tpu.memory_space<semaphore_mem>>)
    %dma_wait3A_196 = arith.constant 0 : i32
    %dma_wait3A_197 = arith.constant 0 : i32
    %dma_wait3A_198 = tpu.memref_slice %arg2[%dma_wait3A_196, %dma_wait3A_197] : memref<25000x128xf32, #tpu.memory_space<hbm>> -> memref<25000x128xf32, #tpu.memory_space<hbm>>
    tpu.wait_indirect_dma semaphore(%arg17 : memref<!tpu.dma_semaphore, #tpu.memory_space<semaphore_mem>>) src(%dma_wait3A_198 : memref<25000x128xf32, #tpu.memory_space<hbm>>) dst(%arg9 : memref<200x128xf32, #tpu.memory_space<vmem>>)
    %add3A_199 = arith.constant 256 : i32
    %add3A_200 = arith.addi %add3A, %add3A_199 : i32
    %mul3A_201 = arith.constant 200 : i32
    %mul3A_202 = arith.muli %add3A_200, %mul3A_201 : i32
    %dma_start3A_203 = tpu.memref_slice %arg3[%mul3A_202] : memref<100000xi32, #tpu.memory_space<hbm>> -> memref<200xi32, #tpu.memory_space<hbm>>
    %dma_start3A_204 = tpu.memref_slice %arg3[%mul3A_202] : memref<100000xi32, #tpu.memory_space<hbm>> -> memref<200xi32, #tpu.memory_space<hbm>>
    tpu.enqueue_dma source(%dma_start3A_204 : memref<200xi32, #tpu.memory_space<hbm>>) target(%arg5 : memref<200xi32, #tpu.memory_space<vmem>>) target_semaphore(%arg13 : memref<!tpu.dma_semaphore, #tpu.memory_space<semaphore_mem>>)
    %add3A_205 = arith.constant 128 : i32
    %add3A_206 = arith.addi %add3A, %add3A_205 : i32
    %mul3A_207 = arith.constant 200 : i32
    %mul3A_208 = arith.muli %add3A_206, %mul3A_207 : i32
    %dma_start3A_209 = arith.constant 0 : i32
    %dma_start3A_210 = tpu.memref_slice %arg4[%mul3A_208, %dma_start3A_209] : memref<100000x128xf32, #tpu.memory_space<hbm>> -> memref<200x128xf32, #tpu.memory_space<hbm>>
    %dma_start3A_211 = arith.constant 0 : i32
    %dma_start3A_212 = tpu.memref_slice %arg4[%mul3A_208, %dma_start3A_211] : memref<100000x128xf32, #tpu.memory_space<hbm>> -> memref<200x128xf32, #tpu.memory_space<hbm>>
    tpu.enqueue_dma source(%arg9 : memref<200x128xf32, #tpu.memory_space<vmem>>) target(%dma_start3A_212 : memref<200x128xf32, #tpu.memory_space<hbm>>) target_semaphore(%arg21 : memref<!tpu.dma_semaphore, #tpu.memory_space<semaphore_mem>>)
    %add3A_213 = arith.constant 128 : i32
    %add3A_214 = arith.addi %add3A, %add3A_213 : i32
    %mul3A_215 = arith.constant 200 : i32
    %mul3A_216 = arith.muli %add3A_214, %mul3A_215 : i32
    %dma_wait3A_217 = arith.constant 0 : i32
    %dma_wait3A_218 = tpu.memref_slice %arg4[%mul3A_216, %dma_wait3A_217] : memref<100000x128xf32, #tpu.memory_space<hbm>> -> memref<200x128xf32, #tpu.memory_space<hbm>>
    %dma_wait3A_219 = arith.constant 0 : i32
    %dma_wait3A_220 = tpu.memref_slice %arg4[%mul3A_216, %dma_wait3A_219] : memref<100000x128xf32, #tpu.memory_space<hbm>> -> memref<200x128xf32, #tpu.memory_space<hbm>>
    tpu.wait_dma2 semaphore(%arg21 : memref<!tpu.dma_semaphore, #tpu.memory_space<semaphore_mem>>) src(%arg9 : memref<200x128xf32, #tpu.memory_space<vmem>>) dst(%dma_wait3A_220 : memref<200x128xf32, #tpu.memory_space<hbm>>)
    %add3A_221 = arith.constant 256 : i32
    %add3A_222 = arith.addi %add3A, %add3A_221 : i32
    %mul3A_223 = arith.constant 200 : i32
    %mul3A_224 = arith.muli %add3A_222, %mul3A_223 : i32
    %dma_wait3A_225 = tpu.memref_slice %arg3[%mul3A_224] : memref<100000xi32, #tpu.memory_space<hbm>> -> memref<200xi32, #tpu.memory_space<hbm>>
    %dma_wait3A_226 = tpu.memref_slice %arg3[%mul3A_224] : memref<100000xi32, #tpu.memory_space<hbm>> -> memref<200xi32, #tpu.memory_space<hbm>>
    tpu.wait_dma2 semaphore(%arg13 : memref<!tpu.dma_semaphore, #tpu.memory_space<semaphore_mem>>) src(%dma_wait3A_226 : memref<200xi32, #tpu.memory_space<hbm>>) dst(%arg5 : memref<200xi32, #tpu.memory_space<vmem>>)
    %dma_start3A_227 = arith.constant 0 : i32
    %dma_start3A_228 = arith.constant 0 : i32
    %dma_start3A_229 = tpu.memref_slice %arg2[%dma_start3A_227, %dma_start3A_228] : memref<25000x128xf32, #tpu.memory_space<hbm>> -> memref<25000x128xf32, #tpu.memory_space<hbm>>
    tpu.enqueue_indirect_dma source(%dma_start3A_229 : memref<25000x128xf32, #tpu.memory_space<hbm>>) target(%arg9 : memref<200x128xf32, #tpu.memory_space<vmem>>) offsets(%arg5 : memref<200xi32, #tpu.memory_space<vmem>>) semaphore(%arg17 : memref<!tpu.dma_semaphore, #tpu.memory_space<semaphore_mem>>)
    %dma_wait3A_230 = arith.constant 0 : i32
    %dma_wait3A_231 = arith.constant 0 : i32
    %dma_wait3A_232 = tpu.memref_slice %arg2[%dma_wait3A_230, %dma_wait3A_231] : memref<25000x128xf32, #tpu.memory_space<hbm>> -> memref<25000x128xf32, #tpu.memory_space<hbm>>
    tpu.wait_indirect_dma semaphore(%arg18 : memref<!tpu.dma_semaphore, #tpu.memory_space<semaphore_mem>>) src(%dma_wait3A_232 : memref<25000x128xf32, #tpu.memory_space<hbm>>) dst(%arg10 : memref<200x128xf32, #tpu.memory_space<vmem>>)
    %add3A_233 = arith.constant 288 : i32
    %add3A_234 = arith.addi %add3A, %add3A_233 : i32
    %mul3A_235 = arith.constant 200 : i32
    %mul3A_236 = arith.muli %add3A_234, %mul3A_235 : i32
    %dma_start3A_237 = tpu.memref_slice %arg3[%mul3A_236] : memref<100000xi32, #tpu.memory_space<hbm>> -> memref<200xi32, #tpu.memory_space<hbm>>
    %dma_start3A_238 = tpu.memref_slice %arg3[%mul3A_236] : memref<100000xi32, #tpu.memory_space<hbm>> -> memref<200xi32, #tpu.memory_space<hbm>>
    tpu.enqueue_dma source(%dma_start3A_238 : memref<200xi32, #tpu.memory_space<hbm>>) target(%arg6 : memref<200xi32, #tpu.memory_space<vmem>>) target_semaphore(%arg14 : memref<!tpu.dma_semaphore, #tpu.memory_space<semaphore_mem>>)
    %add3A_239 = arith.constant 160 : i32
    %add3A_240 = arith.addi %add3A, %add3A_239 : i32
    %mul3A_241 = arith.constant 200 : i32
    %mul3A_242 = arith.muli %add3A_240, %mul3A_241 : i32
    %dma_start3A_243 = arith.constant 0 : i32
    %dma_start3A_244 = tpu.memref_slice %arg4[%mul3A_242, %dma_start3A_243] : memref<100000x128xf32, #tpu.memory_space<hbm>> -> memref<200x128xf32, #tpu.memory_space<hbm>>
    %dma_start3A_245 = arith.constant 0 : i32
    %dma_start3A_246 = tpu.memref_slice %arg4[%mul3A_242, %dma_start3A_245] : memref<100000x128xf32, #tpu.memory_space<hbm>> -> memref<200x128xf32, #tpu.memory_space<hbm>>
    tpu.enqueue_dma source(%arg10 : memref<200x128xf32, #tpu.memory_space<vmem>>) target(%dma_start3A_246 : memref<200x128xf32, #tpu.memory_space<hbm>>) target_semaphore(%arg22 : memref<!tpu.dma_semaphore, #tpu.memory_space<semaphore_mem>>)
    %add3A_247 = arith.constant 160 : i32
    %add3A_248 = arith.addi %add3A, %add3A_247 : i32
    %mul3A_249 = arith.constant 200 : i32
    %mul3A_250 = arith.muli %add3A_248, %mul3A_249 : i32
    %dma_wait3A_251 = arith.constant 0 : i32
    %dma_wait3A_252 = tpu.memref_slice %arg4[%mul3A_250, %dma_wait3A_251] : memref<100000x128xf32, #tpu.memory_space<hbm>> -> memref<200x128xf32, #tpu.memory_space<hbm>>
    %dma_wait3A_253 = arith.constant 0 : i32
    %dma_wait3A_254 = tpu.memref_slice %arg4[%mul3A_250, %dma_wait3A_253] : memref<100000x128xf32, #tpu.memory_space<hbm>> -> memref<200x128xf32, #tpu.memory_space<hbm>>
    tpu.wait_dma2 semaphore(%arg22 : memref<!tpu.dma_semaphore, #tpu.memory_space<semaphore_mem>>) src(%arg10 : memref<200x128xf32, #tpu.memory_space<vmem>>) dst(%dma_wait3A_254 : memref<200x128xf32, #tpu.memory_space<hbm>>)
    %add3A_255 = arith.constant 288 : i32
    %add3A_256 = arith.addi %add3A, %add3A_255 : i32
    %mul3A_257 = arith.constant 200 : i32
    %mul3A_258 = arith.muli %add3A_256, %mul3A_257 : i32
    %dma_wait3A_259 = tpu.memref_slice %arg3[%mul3A_258] : memref<100000xi32, #tpu.memory_space<hbm>> -> memref<200xi32, #tpu.memory_space<hbm>>
    %dma_wait3A_260 = tpu.memref_slice %arg3[%mul3A_258] : memref<100000xi32, #tpu.memory_space<hbm>> -> memref<200xi32, #tpu.memory_space<hbm>>
    tpu.wait_dma2 semaphore(%arg14 : memref<!tpu.dma_semaphore, #tpu.memory_space<semaphore_mem>>) src(%dma_wait3A_260 : memref<200xi32, #tpu.memory_space<hbm>>) dst(%arg6 : memref<200xi32, #tpu.memory_space<vmem>>)
    %dma_start3A_261 = arith.constant 0 : i32
    %dma_start3A_262 = arith.constant 0 : i32
    %dma_start3A_263 = tpu.memref_slice %arg2[%dma_start3A_261, %dma_start3A_262] : memref<25000x128xf32, #tpu.memory_space<hbm>> -> memref<25000x128xf32, #tpu.memory_space<hbm>>
    tpu.enqueue_indirect_dma source(%dma_start3A_263 : memref<25000x128xf32, #tpu.memory_space<hbm>>) target(%arg10 : memref<200x128xf32, #tpu.memory_space<vmem>>) offsets(%arg6 : memref<200xi32, #tpu.memory_space<vmem>>) semaphore(%arg18 : memref<!tpu.dma_semaphore, #tpu.memory_space<semaphore_mem>>)
    %dma_wait3A_264 = arith.constant 0 : i32
    %dma_wait3A_265 = arith.constant 0 : i32
    %dma_wait3A_266 = tpu.memref_slice %arg2[%dma_wait3A_264, %dma_wait3A_265] : memref<25000x128xf32, #tpu.memory_space<hbm>> -> memref<25000x128xf32, #tpu.memory_space<hbm>>
    tpu.wait_indirect_dma semaphore(%arg19 : memref<!tpu.dma_semaphore, #tpu.memory_space<semaphore_mem>>) src(%dma_wait3A_266 : memref<25000x128xf32, #tpu.memory_space<hbm>>) dst(%arg11 : memref<200x128xf32, #tpu.memory_space<vmem>>)
    %add3A_267 = arith.constant 320 : i32
    %add3A_268 = arith.addi %add3A, %add3A_267 : i32
    %mul3A_269 = arith.constant 200 : i32
    %mul3A_270 = arith.muli %add3A_268, %mul3A_269 : i32
    %dma_start3A_271 = tpu.memref_slice %arg3[%mul3A_270] : memref<100000xi32, #tpu.memory_space<hbm>> -> memref<200xi32, #tpu.memory_space<hbm>>
    %dma_start3A_272 = tpu.memref_slice %arg3[%mul3A_270] : memref<100000xi32, #tpu.memory_space<hbm>> -> memref<200xi32, #tpu.memory_space<hbm>>
    tpu.enqueue_dma source(%dma_start3A_272 : memref<200xi32, #tpu.memory_space<hbm>>) target(%arg7 : memref<200xi32, #tpu.memory_space<vmem>>) target_semaphore(%arg15 : memref<!tpu.dma_semaphore, #tpu.memory_space<semaphore_mem>>)
    %add3A_273 = arith.constant 192 : i32
    %add3A_274 = arith.addi %add3A, %add3A_273 : i32
    %mul3A_275 = arith.constant 200 : i32
    %mul3A_276 = arith.muli %add3A_274, %mul3A_275 : i32
    %dma_start3A_277 = arith.constant 0 : i32
    %dma_start3A_278 = tpu.memref_slice %arg4[%mul3A_276, %dma_start3A_277] : memref<100000x128xf32, #tpu.memory_space<hbm>> -> memref<200x128xf32, #tpu.memory_space<hbm>>
    %dma_start3A_279 = arith.constant 0 : i32
    %dma_start3A_280 = tpu.memref_slice %arg4[%mul3A_276, %dma_start3A_279] : memref<100000x128xf32, #tpu.memory_space<hbm>> -> memref<200x128xf32, #tpu.memory_space<hbm>>
    tpu.enqueue_dma source(%arg11 : memref<200x128xf32, #tpu.memory_space<vmem>>) target(%dma_start3A_280 : memref<200x128xf32, #tpu.memory_space<hbm>>) target_semaphore(%arg23 : memref<!tpu.dma_semaphore, #tpu.memory_space<semaphore_mem>>)
    %add3A_281 = arith.constant 192 : i32
    %add3A_282 = arith.addi %add3A, %add3A_281 : i32
    %mul3A_283 = arith.constant 200 : i32
    %mul3A_284 = arith.muli %add3A_282, %mul3A_283 : i32
    %dma_wait3A_285 = arith.constant 0 : i32
    %dma_wait3A_286 = tpu.memref_slice %arg4[%mul3A_284, %dma_wait3A_285] : memref<100000x128xf32, #tpu.memory_space<hbm>> -> memref<200x128xf32, #tpu.memory_space<hbm>>
    %dma_wait3A_287 = arith.constant 0 : i32
    %dma_wait3A_288 = tpu.memref_slice %arg4[%mul3A_284, %dma_wait3A_287] : memref<100000x128xf32, #tpu.memory_space<hbm>> -> memref<200x128xf32, #tpu.memory_space<hbm>>
    tpu.wait_dma2 semaphore(%arg23 : memref<!tpu.dma_semaphore, #tpu.memory_space<semaphore_mem>>) src(%arg11 : memref<200x128xf32, #tpu.memory_space<vmem>>) dst(%dma_wait3A_288 : memref<200x128xf32, #tpu.memory_space<hbm>>)
    %add3A_289 = arith.constant 320 : i32
    %add3A_290 = arith.addi %add3A, %add3A_289 : i32
    %mul3A_291 = arith.constant 200 : i32
    %mul3A_292 = arith.muli %add3A_290, %mul3A_291 : i32
    %dma_wait3A_293 = tpu.memref_slice %arg3[%mul3A_292] : memref<100000xi32, #tpu.memory_space<hbm>> -> memref<200xi32, #tpu.memory_space<hbm>>
    %dma_wait3A_294 = tpu.memref_slice %arg3[%mul3A_292] : memref<100000xi32, #tpu.memory_space<hbm>> -> memref<200xi32, #tpu.memory_space<hbm>>
    tpu.wait_dma2 semaphore(%arg15 : memref<!tpu.dma_semaphore, #tpu.memory_space<semaphore_mem>>) src(%dma_wait3A_294 : memref<200xi32, #tpu.memory_space<hbm>>) dst(%arg7 : memref<200xi32, #tpu.memory_space<vmem>>)
    %dma_start3A_295 = arith.constant 0 : i32
    %dma_start3A_296 = arith.constant 0 : i32
    %dma_start3A_297 = tpu.memref_slice %arg2[%dma_start3A_295, %dma_start3A_296] : memref<25000x128xf32, #tpu.memory_space<hbm>> -> memref<25000x128xf32, #tpu.memory_space<hbm>>
    tpu.enqueue_indirect_dma source(%dma_start3A_297 : memref<25000x128xf32, #tpu.memory_space<hbm>>) target(%arg11 : memref<200x128xf32, #tpu.memory_space<vmem>>) offsets(%arg7 : memref<200xi32, #tpu.memory_space<vmem>>) semaphore(%arg19 : memref<!tpu.dma_semaphore, #tpu.memory_space<semaphore_mem>>)
    %dma_wait3A_298 = arith.constant 0 : i32
    %dma_wait3A_299 = arith.constant 0 : i32
    %dma_wait3A_300 = tpu.memref_slice %arg2[%dma_wait3A_298, %dma_wait3A_299] : memref<25000x128xf32, #tpu.memory_space<hbm>> -> memref<25000x128xf32, #tpu.memory_space<hbm>>
    tpu.wait_indirect_dma semaphore(%arg20 : memref<!tpu.dma_semaphore, #tpu.memory_space<semaphore_mem>>) src(%dma_wait3A_300 : memref<25000x128xf32, #tpu.memory_space<hbm>>) dst(%arg12 : memref<200x128xf32, #tpu.memory_space<vmem>>)
    %add3A_301 = arith.constant 352 : i32
    %add3A_302 = arith.addi %add3A, %add3A_301 : i32
    %mul3A_303 = arith.constant 200 : i32
    %mul3A_304 = arith.muli %add3A_302, %mul3A_303 : i32
    %dma_start3A_305 = tpu.memref_slice %arg3[%mul3A_304] : memref<100000xi32, #tpu.memory_space<hbm>> -> memref<200xi32, #tpu.memory_space<hbm>>
    %dma_start3A_306 = tpu.memref_slice %arg3[%mul3A_304] : memref<100000xi32, #tpu.memory_space<hbm>> -> memref<200xi32, #tpu.memory_space<hbm>>
    tpu.enqueue_dma source(%dma_start3A_306 : memref<200xi32, #tpu.memory_space<hbm>>) target(%arg8 : memref<200xi32, #tpu.memory_space<vmem>>) target_semaphore(%arg16 : memref<!tpu.dma_semaphore, #tpu.memory_space<semaphore_mem>>)
    %add3A_307 = arith.constant 224 : i32
    %add3A_308 = arith.addi %add3A, %add3A_307 : i32
    %mul3A_309 = arith.constant 200 : i32
    %mul3A_310 = arith.muli %add3A_308, %mul3A_309 : i32
    %dma_start3A_311 = arith.constant 0 : i32
    %dma_start3A_312 = tpu.memref_slice %arg4[%mul3A_310, %dma_start3A_311] : memref<100000x128xf32, #tpu.memory_space<hbm>> -> memref<200x128xf32, #tpu.memory_space<hbm>>
    %dma_start3A_313 = arith.constant 0 : i32
    %dma_start3A_314 = tpu.memref_slice %arg4[%mul3A_310, %dma_start3A_313] : memref<100000x128xf32, #tpu.memory_space<hbm>> -> memref<200x128xf32, #tpu.memory_space<hbm>>
    tpu.enqueue_dma source(%arg12 : memref<200x128xf32, #tpu.memory_space<vmem>>) target(%dma_start3A_314 : memref<200x128xf32, #tpu.memory_space<hbm>>) target_semaphore(%arg24 : memref<!tpu.dma_semaphore, #tpu.memory_space<semaphore_mem>>)
    %add3A_315 = arith.constant 224 : i32
    %add3A_316 = arith.addi %add3A, %add3A_315 : i32
    %mul3A_317 = arith.constant 200 : i32
    %mul3A_318 = arith.muli %add3A_316, %mul3A_317 : i32
    %dma_wait3A_319 = arith.constant 0 : i32
    %dma_wait3A_320 = tpu.memref_slice %arg4[%mul3A_318, %dma_wait3A_319] : memref<100000x128xf32, #tpu.memory_space<hbm>> -> memref<200x128xf32, #tpu.memory_space<hbm>>
    %dma_wait3A_321 = arith.constant 0 : i32
    %dma_wait3A_322 = tpu.memref_slice %arg4[%mul3A_318, %dma_wait3A_321] : memref<100000x128xf32, #tpu.memory_space<hbm>> -> memref<200x128xf32, #tpu.memory_space<hbm>>
    tpu.wait_dma2 semaphore(%arg24 : memref<!tpu.dma_semaphore, #tpu.memory_space<semaphore_mem>>) src(%arg12 : memref<200x128xf32, #tpu.memory_space<vmem>>) dst(%dma_wait3A_322 : memref<200x128xf32, #tpu.memory_space<hbm>>)
    %add3A_323 = arith.constant 352 : i32
    %add3A_324 = arith.addi %add3A, %add3A_323 : i32
    %mul3A_325 = arith.constant 200 : i32
    %mul3A_326 = arith.muli %add3A_324, %mul3A_325 : i32
    %dma_wait3A_327 = tpu.memref_slice %arg3[%mul3A_326] : memref<100000xi32, #tpu.memory_space<hbm>> -> memref<200xi32, #tpu.memory_space<hbm>>
    %dma_wait3A_328 = tpu.memref_slice %arg3[%mul3A_326] : memref<100000xi32, #tpu.memory_space<hbm>> -> memref<200xi32, #tpu.memory_space<hbm>>
    tpu.wait_dma2 semaphore(%arg16 : memref<!tpu.dma_semaphore, #tpu.memory_space<semaphore_mem>>) src(%dma_wait3A_328 : memref<200xi32, #tpu.memory_space<hbm>>) dst(%arg8 : memref<200xi32, #tpu.memory_space<vmem>>)
    %dma_start3A_329 = arith.constant 0 : i32
    %dma_start3A_330 = arith.constant 0 : i32
    %dma_start3A_331 = tpu.memref_slice %arg2[%dma_start3A_329, %dma_start3A_330] : memref<25000x128xf32, #tpu.memory_space<hbm>> -> memref<25000x128xf32, #tpu.memory_space<hbm>>
    tpu.enqueue_indirect_dma source(%dma_start3A_331 : memref<25000x128xf32, #tpu.memory_space<hbm>>) target(%arg12 : memref<200x128xf32, #tpu.memory_space<vmem>>) offsets(%arg8 : memref<200xi32, #tpu.memory_space<vmem>>) semaphore(%arg20 : memref<!tpu.dma_semaphore, #tpu.memory_space<semaphore_mem>>)
    %dma_wait3A_332 = arith.constant 0 : i32
    %dma_wait3A_333 = arith.constant 0 : i32
    %dma_wait3A_334 = tpu.memref_slice %arg2[%dma_wait3A_332, %dma_wait3A_333] : memref<25000x128xf32, #tpu.memory_space<hbm>> -> memref<25000x128xf32, #tpu.memory_space<hbm>>
    tpu.wait_indirect_dma semaphore(%arg17 : memref<!tpu.dma_semaphore, #tpu.memory_space<semaphore_mem>>) src(%dma_wait3A_334 : memref<25000x128xf32, #tpu.memory_space<hbm>>) dst(%arg9 : memref<200x128xf32, #tpu.memory_space<vmem>>)
    %add3A_335 = arith.constant 384 : i32
    %add3A_336 = arith.addi %add3A, %add3A_335 : i32
    %mul3A_337 = arith.constant 200 : i32
    %mul3A_338 = arith.muli %add3A_336, %mul3A_337 : i32
    %dma_start3A_339 = tpu.memref_slice %arg3[%mul3A_338] : memref<100000xi32, #tpu.memory_space<hbm>> -> memref<200xi32, #tpu.memory_space<hbm>>
    %dma_start3A_340 = tpu.memref_slice %arg3[%mul3A_338] : memref<100000xi32, #tpu.memory_space<hbm>> -> memref<200xi32, #tpu.memory_space<hbm>>
    tpu.enqueue_dma source(%dma_start3A_340 : memref<200xi32, #tpu.memory_space<hbm>>) target(%arg5 : memref<200xi32, #tpu.memory_space<vmem>>) target_semaphore(%arg13 : memref<!tpu.dma_semaphore, #tpu.memory_space<semaphore_mem>>)
    %add3A_341 = arith.constant 256 : i32
    %add3A_342 = arith.addi %add3A, %add3A_341 : i32
    %mul3A_343 = arith.constant 200 : i32
    %mul3A_344 = arith.muli %add3A_342, %mul3A_343 : i32
    %dma_start3A_345 = arith.constant 0 : i32
    %dma_start3A_346 = tpu.memref_slice %arg4[%mul3A_344, %dma_start3A_345] : memref<100000x128xf32, #tpu.memory_space<hbm>> -> memref<200x128xf32, #tpu.memory_space<hbm>>
    %dma_start3A_347 = arith.constant 0 : i32
    %dma_start3A_348 = tpu.memref_slice %arg4[%mul3A_344, %dma_start3A_347] : memref<100000x128xf32, #tpu.memory_space<hbm>> -> memref<200x128xf32, #tpu.memory_space<hbm>>
    tpu.enqueue_dma source(%arg9 : memref<200x128xf32, #tpu.memory_space<vmem>>) target(%dma_start3A_348 : memref<200x128xf32, #tpu.memory_space<hbm>>) target_semaphore(%arg21 : memref<!tpu.dma_semaphore, #tpu.memory_space<semaphore_mem>>)
    %add3A_349 = arith.constant 256 : i32
    %add3A_350 = arith.addi %add3A, %add3A_349 : i32
    %mul3A_351 = arith.constant 200 : i32
    %mul3A_352 = arith.muli %add3A_350, %mul3A_351 : i32
    %dma_wait3A_353 = arith.constant 0 : i32
    %dma_wait3A_354 = tpu.memref_slice %arg4[%mul3A_352, %dma_wait3A_353] : memref<100000x128xf32, #tpu.memory_space<hbm>> -> memref<200x128xf32, #tpu.memory_space<hbm>>
    %dma_wait3A_355 = arith.constant 0 : i32
    %dma_wait3A_356 = tpu.memref_slice %arg4[%mul3A_352, %dma_wait3A_355] : memref<100000x128xf32, #tpu.memory_space<hbm>> -> memref<200x128xf32, #tpu.memory_space<hbm>>
    tpu.wait_dma2 semaphore(%arg21 : memref<!tpu.dma_semaphore, #tpu.memory_space<semaphore_mem>>) src(%arg9 : memref<200x128xf32, #tpu.memory_space<vmem>>) dst(%dma_wait3A_356 : memref<200x128xf32, #tpu.memory_space<hbm>>)
    %add3A_357 = arith.constant 384 : i32
    %add3A_358 = arith.addi %add3A, %add3A_357 : i32
    %mul3A_359 = arith.constant 200 : i32
    %mul3A_360 = arith.muli %add3A_358, %mul3A_359 : i32
    %dma_wait3A_361 = tpu.memref_slice %arg3[%mul3A_360] : memref<100000xi32, #tpu.memory_space<hbm>> -> memref<200xi32, #tpu.memory_space<hbm>>
    %dma_wait3A_362 = tpu.memref_slice %arg3[%mul3A_360] : memref<100000xi32, #tpu.memory_space<hbm>> -> memref<200xi32, #tpu.memory_space<hbm>>
    tpu.wait_dma2 semaphore(%arg13 : memref<!tpu.dma_semaphore, #tpu.memory_space<semaphore_mem>>) src(%dma_wait3A_362 : memref<200xi32, #tpu.memory_space<hbm>>) dst(%arg5 : memref<200xi32, #tpu.memory_space<vmem>>)
    %dma_start3A_363 = arith.constant 0 : i32
    %dma_start3A_364 = arith.constant 0 : i32
    %dma_start3A_365 = tpu.memref_slice %arg2[%dma_start3A_363, %dma_start3A_364] : memref<25000x128xf32, #tpu.memory_space<hbm>> -> memref<25000x128xf32, #tpu.memory_space<hbm>>
    tpu.enqueue_indirect_dma source(%dma_start3A_365 : memref<25000x128xf32, #tpu.memory_space<hbm>>) target(%arg9 : memref<200x128xf32, #tpu.memory_space<vmem>>) offsets(%arg5 : memref<200xi32, #tpu.memory_space<vmem>>) semaphore(%arg17 : memref<!tpu.dma_semaphore, #tpu.memory_space<semaphore_mem>>)
    %dma_wait3A_366 = arith.constant 0 : i32
    %dma_wait3A_367 = arith.constant 0 : i32
    %dma_wait3A_368 = tpu.memref_slice %arg2[%dma_wait3A_366, %dma_wait3A_367] : memref<25000x128xf32, #tpu.memory_space<hbm>> -> memref<25000x128xf32, #tpu.memory_space<hbm>>
    tpu.wait_indirect_dma semaphore(%arg18 : memref<!tpu.dma_semaphore, #tpu.memory_space<semaphore_mem>>) src(%dma_wait3A_368 : memref<25000x128xf32, #tpu.memory_space<hbm>>) dst(%arg10 : memref<200x128xf32, #tpu.memory_space<vmem>>)
    %add3A_369 = arith.constant 416 : i32
    %add3A_370 = arith.addi %add3A, %add3A_369 : i32
    %mul3A_371 = arith.constant 200 : i32
    %mul3A_372 = arith.muli %add3A_370, %mul3A_371 : i32
    %dma_start3A_373 = tpu.memref_slice %arg3[%mul3A_372] : memref<100000xi32, #tpu.memory_space<hbm>> -> memref<200xi32, #tpu.memory_space<hbm>>
    %dma_start3A_374 = tpu.memref_slice %arg3[%mul3A_372] : memref<100000xi32, #tpu.memory_space<hbm>> -> memref<200xi32, #tpu.memory_space<hbm>>
    tpu.enqueue_dma source(%dma_start3A_374 : memref<200xi32, #tpu.memory_space<hbm>>) target(%arg6 : memref<200xi32, #tpu.memory_space<vmem>>) target_semaphore(%arg14 : memref<!tpu.dma_semaphore, #tpu.memory_space<semaphore_mem>>)
    %add3A_375 = arith.constant 288 : i32
    %add3A_376 = arith.addi %add3A, %add3A_375 : i32
    %mul3A_377 = arith.constant 200 : i32
    %mul3A_378 = arith.muli %add3A_376, %mul3A_377 : i32
    %dma_start3A_379 = arith.constant 0 : i32
    %dma_start3A_380 = tpu.memref_slice %arg4[%mul3A_378, %dma_start3A_379] : memref<100000x128xf32, #tpu.memory_space<hbm>> -> memref<200x128xf32, #tpu.memory_space<hbm>>
    %dma_start3A_381 = arith.constant 0 : i32
    %dma_start3A_382 = tpu.memref_slice %arg4[%mul3A_378, %dma_start3A_381] : memref<100000x128xf32, #tpu.memory_space<hbm>> -> memref<200x128xf32, #tpu.memory_space<hbm>>
    tpu.enqueue_dma source(%arg10 : memref<200x128xf32, #tpu.memory_space<vmem>>) target(%dma_start3A_382 : memref<200x128xf32, #tpu.memory_space<hbm>>) target_semaphore(%arg22 : memref<!tpu.dma_semaphore, #tpu.memory_space<semaphore_mem>>)
    %add3A_383 = arith.constant 288 : i32
    %add3A_384 = arith.addi %add3A, %add3A_383 : i32
    %mul3A_385 = arith.constant 200 : i32
    %mul3A_386 = arith.muli %add3A_384, %mul3A_385 : i32
    %dma_wait3A_387 = arith.constant 0 : i32
    %dma_wait3A_388 = tpu.memref_slice %arg4[%mul3A_386, %dma_wait3A_387] : memref<100000x128xf32, #tpu.memory_space<hbm>> -> memref<200x128xf32, #tpu.memory_space<hbm>>
    %dma_wait3A_389 = arith.constant 0 : i32
    %dma_wait3A_390 = tpu.memref_slice %arg4[%mul3A_386, %dma_wait3A_389] : memref<100000x128xf32, #tpu.memory_space<hbm>> -> memref<200x128xf32, #tpu.memory_space<hbm>>
    tpu.wait_dma2 semaphore(%arg22 : memref<!tpu.dma_semaphore, #tpu.memory_space<semaphore_mem>>) src(%arg10 : memref<200x128xf32, #tpu.memory_space<vmem>>) dst(%dma_wait3A_390 : memref<200x128xf32, #tpu.memory_space<hbm>>)
    %add3A_391 = arith.constant 416 : i32
    %add3A_392 = arith.addi %add3A, %add3A_391 : i32
    %mul3A_393 = arith.constant 200 : i32
    %mul3A_394 = arith.muli %add3A_392, %mul3A_393 : i32
    %dma_wait3A_395 = tpu.memref_slice %arg3[%mul3A_394] : memref<100000xi32, #tpu.memory_space<hbm>> -> memref<200xi32, #tpu.memory_space<hbm>>
    %dma_wait3A_396 = tpu.memref_slice %arg3[%mul3A_394] : memref<100000xi32, #tpu.memory_space<hbm>> -> memref<200xi32, #tpu.memory_space<hbm>>
    tpu.wait_dma2 semaphore(%arg14 : memref<!tpu.dma_semaphore, #tpu.memory_space<semaphore_mem>>) src(%dma_wait3A_396 : memref<200xi32, #tpu.memory_space<hbm>>) dst(%arg6 : memref<200xi32, #tpu.memory_space<vmem>>)
    %dma_start3A_397 = arith.constant 0 : i32
    %dma_start3A_398 = arith.constant 0 : i32
    %dma_start3A_399 = tpu.memref_slice %arg2[%dma_start3A_397, %dma_start3A_398] : memref<25000x128xf32, #tpu.memory_space<hbm>> -> memref<25000x128xf32, #tpu.memory_space<hbm>>
    tpu.enqueue_indirect_dma source(%dma_start3A_399 : memref<25000x128xf32, #tpu.memory_space<hbm>>) target(%arg10 : memref<200x128xf32, #tpu.memory_space<vmem>>) offsets(%arg6 : memref<200xi32, #tpu.memory_space<vmem>>) semaphore(%arg18 : memref<!tpu.dma_semaphore, #tpu.memory_space<semaphore_mem>>)
    %dma_wait3A_400 = arith.constant 0 : i32
    %dma_wait3A_401 = arith.constant 0 : i32
    %dma_wait3A_402 = tpu.memref_slice %arg2[%dma_wait3A_400, %dma_wait3A_401] : memref<25000x128xf32, #tpu.memory_space<hbm>> -> memref<25000x128xf32, #tpu.memory_space<hbm>>
    tpu.wait_indirect_dma semaphore(%arg19 : memref<!tpu.dma_semaphore, #tpu.memory_space<semaphore_mem>>) src(%dma_wait3A_402 : memref<25000x128xf32, #tpu.memory_space<hbm>>) dst(%arg11 : memref<200x128xf32, #tpu.memory_space<vmem>>)
    %add3A_403 = arith.constant 448 : i32
    %add3A_404 = arith.addi %add3A, %add3A_403 : i32
    %mul3A_405 = arith.constant 200 : i32
    %mul3A_406 = arith.muli %add3A_404, %mul3A_405 : i32
    %dma_start3A_407 = tpu.memref_slice %arg3[%mul3A_406] : memref<100000xi32, #tpu.memory_space<hbm>> -> memref<200xi32, #tpu.memory_space<hbm>>
    %dma_start3A_408 = tpu.memref_slice %arg3[%mul3A_406] : memref<100000xi32, #tpu.memory_space<hbm>> -> memref<200xi32, #tpu.memory_space<hbm>>
    tpu.enqueue_dma source(%dma_start3A_408 : memref<200xi32, #tpu.memory_space<hbm>>) target(%arg7 : memref<200xi32, #tpu.memory_space<vmem>>) target_semaphore(%arg15 : memref<!tpu.dma_semaphore, #tpu.memory_space<semaphore_mem>>)
    %add3A_409 = arith.constant 320 : i32
    %add3A_410 = arith.addi %add3A, %add3A_409 : i32
    %mul3A_411 = arith.constant 200 : i32
    %mul3A_412 = arith.muli %add3A_410, %mul3A_411 : i32
    %dma_start3A_413 = arith.constant 0 : i32
    %dma_start3A_414 = tpu.memref_slice %arg4[%mul3A_412, %dma_start3A_413] : memref<100000x128xf32, #tpu.memory_space<hbm>> -> memref<200x128xf32, #tpu.memory_space<hbm>>
    %dma_start3A_415 = arith.constant 0 : i32
    %dma_start3A_416 = tpu.memref_slice %arg4[%mul3A_412, %dma_start3A_415] : memref<100000x128xf32, #tpu.memory_space<hbm>> -> memref<200x128xf32, #tpu.memory_space<hbm>>
    tpu.enqueue_dma source(%arg11 : memref<200x128xf32, #tpu.memory_space<vmem>>) target(%dma_start3A_416 : memref<200x128xf32, #tpu.memory_space<hbm>>) target_semaphore(%arg23 : memref<!tpu.dma_semaphore, #tpu.memory_space<semaphore_mem>>)
    %add3A_417 = arith.constant 320 : i32
    %add3A_418 = arith.addi %add3A, %add3A_417 : i32
    %mul3A_419 = arith.constant 200 : i32
    %mul3A_420 = arith.muli %add3A_418, %mul3A_419 : i32
    %dma_wait3A_421 = arith.constant 0 : i32
    %dma_wait3A_422 = tpu.memref_slice %arg4[%mul3A_420, %dma_wait3A_421] : memref<100000x128xf32, #tpu.memory_space<hbm>> -> memref<200x128xf32, #tpu.memory_space<hbm>>
    %dma_wait3A_423 = arith.constant 0 : i32
    %dma_wait3A_424 = tpu.memref_slice %arg4[%mul3A_420, %dma_wait3A_423] : memref<100000x128xf32, #tpu.memory_space<hbm>> -> memref<200x128xf32, #tpu.memory_space<hbm>>
    tpu.wait_dma2 semaphore(%arg23 : memref<!tpu.dma_semaphore, #tpu.memory_space<semaphore_mem>>) src(%arg11 : memref<200x128xf32, #tpu.memory_space<vmem>>) dst(%dma_wait3A_424 : memref<200x128xf32, #tpu.memory_space<hbm>>)
    %add3A_425 = arith.constant 448 : i32
    %add3A_426 = arith.addi %add3A, %add3A_425 : i32
    %mul3A_427 = arith.constant 200 : i32
    %mul3A_428 = arith.muli %add3A_426, %mul3A_427 : i32
    %dma_wait3A_429 = tpu.memref_slice %arg3[%mul3A_428] : memref<100000xi32, #tpu.memory_space<hbm>> -> memref<200xi32, #tpu.memory_space<hbm>>
    %dma_wait3A_430 = tpu.memref_slice %arg3[%mul3A_428] : memref<100000xi32, #tpu.memory_space<hbm>> -> memref<200xi32, #tpu.memory_space<hbm>>
    tpu.wait_dma2 semaphore(%arg15 : memref<!tpu.dma_semaphore, #tpu.memory_space<semaphore_mem>>) src(%dma_wait3A_430 : memref<200xi32, #tpu.memory_space<hbm>>) dst(%arg7 : memref<200xi32, #tpu.memory_space<vmem>>)
    %dma_start3A_431 = arith.constant 0 : i32
    %dma_start3A_432 = arith.constant 0 : i32
    %dma_start3A_433 = tpu.memref_slice %arg2[%dma_start3A_431, %dma_start3A_432] : memref<25000x128xf32, #tpu.memory_space<hbm>> -> memref<25000x128xf32, #tpu.memory_space<hbm>>
    tpu.enqueue_indirect_dma source(%dma_start3A_433 : memref<25000x128xf32, #tpu.memory_space<hbm>>) target(%arg11 : memref<200x128xf32, #tpu.memory_space<vmem>>) offsets(%arg7 : memref<200xi32, #tpu.memory_space<vmem>>) semaphore(%arg19 : memref<!tpu.dma_semaphore, #tpu.memory_space<semaphore_mem>>)
    %dma_wait3A_434 = arith.constant 0 : i32
    %dma_wait3A_435 = arith.constant 0 : i32
    %dma_wait3A_436 = tpu.memref_slice %arg2[%dma_wait3A_434, %dma_wait3A_435] : memref<25000x128xf32, #tpu.memory_space<hbm>> -> memref<25000x128xf32, #tpu.memory_space<hbm>>
    tpu.wait_indirect_dma semaphore(%arg20 : memref<!tpu.dma_semaphore, #tpu.memory_space<semaphore_mem>>) src(%dma_wait3A_436 : memref<25000x128xf32, #tpu.memory_space<hbm>>) dst(%arg12 : memref<200x128xf32, #tpu.memory_space<vmem>>)
    %convert_element_type3A = arith.extui %lt3A_1 : i1 to i32
    %cond3A = arith.constant 0 : i32
    %cond3A_437 = arith.cmpi ne, %convert_element_type3A, %cond3A : i32
    scf.if %cond3A_437 {
      %add3A_526 = arith.constant 480 : i32
      %add3A_527 = arith.addi %add3A, %add3A_526 : i32
      %mul3A_528 = arith.constant 200 : i32
      %mul3A_529 = arith.muli %add3A_527, %mul3A_528 : i32
      %dma_start3A_530 = tpu.memref_slice %arg3[%mul3A_529] : memref<100000xi32, #tpu.memory_space<hbm>> -> memref<200xi32, #tpu.memory_space<hbm>>
      %dma_start3A_531 = tpu.memref_slice %arg3[%mul3A_529] : memref<100000xi32, #tpu.memory_space<hbm>> -> memref<200xi32, #tpu.memory_space<hbm>>
      tpu.enqueue_dma source(%dma_start3A_531 : memref<200xi32, #tpu.memory_space<hbm>>) target(%arg8 : memref<200xi32, #tpu.memory_space<vmem>>) target_semaphore(%arg16 : memref<!tpu.dma_semaphore, #tpu.memory_space<semaphore_mem>>)
    } else {
    }
    %add3A_438 = arith.constant 352 : i32
    %add3A_439 = arith.addi %add3A, %add3A_438 : i32
    %mul3A_440 = arith.constant 200 : i32
    %mul3A_441 = arith.muli %add3A_439, %mul3A_440 : i32
    %dma_start3A_442 = arith.constant 0 : i32
    %dma_start3A_443 = tpu.memref_slice %arg4[%mul3A_441, %dma_start3A_442] : memref<100000x128xf32, #tpu.memory_space<hbm>> -> memref<200x128xf32, #tpu.memory_space<hbm>>
    %dma_start3A_444 = arith.constant 0 : i32
    %dma_start3A_445 = tpu.memref_slice %arg4[%mul3A_441, %dma_start3A_444] : memref<100000x128xf32, #tpu.memory_space<hbm>> -> memref<200x128xf32, #tpu.memory_space<hbm>>
    tpu.enqueue_dma source(%arg12 : memref<200x128xf32, #tpu.memory_space<vmem>>) target(%dma_start3A_445 : memref<200x128xf32, #tpu.memory_space<hbm>>) target_semaphore(%arg24 : memref<!tpu.dma_semaphore, #tpu.memory_space<semaphore_mem>>)
    %add3A_446 = arith.constant 352 : i32
    %add3A_447 = arith.addi %add3A, %add3A_446 : i32
    %mul3A_448 = arith.constant 200 : i32
    %mul3A_449 = arith.muli %add3A_447, %mul3A_448 : i32
    %dma_wait3A_450 = arith.constant 0 : i32
    %dma_wait3A_451 = tpu.memref_slice %arg4[%mul3A_449, %dma_wait3A_450] : memref<100000x128xf32, #tpu.memory_space<hbm>> -> memref<200x128xf32, #tpu.memory_space<hbm>>
    %dma_wait3A_452 = arith.constant 0 : i32
    %dma_wait3A_453 = tpu.memref_slice %arg4[%mul3A_449, %dma_wait3A_452] : memref<100000x128xf32, #tpu.memory_space<hbm>> -> memref<200x128xf32, #tpu.memory_space<hbm>>
    tpu.wait_dma2 semaphore(%arg24 : memref<!tpu.dma_semaphore, #tpu.memory_space<semaphore_mem>>) src(%arg12 : memref<200x128xf32, #tpu.memory_space<vmem>>) dst(%dma_wait3A_453 : memref<200x128xf32, #tpu.memory_space<hbm>>)
    %convert_element_type3A_454 = arith.extui %lt3A_1 : i1 to i32
    %cond3A_455 = arith.constant 0 : i32
    %cond3A_456 = arith.cmpi ne, %convert_element_type3A_454, %cond3A_455 : i32
    scf.if %cond3A_456 {
      %add3A_526 = arith.constant 480 : i32
      %add3A_527 = arith.addi %add3A, %add3A_526 : i32
      %mul3A_528 = arith.constant 200 : i32
      %mul3A_529 = arith.muli %add3A_527, %mul3A_528 : i32
      %dma_wait3A_530 = tpu.memref_slice %arg3[%mul3A_529] : memref<100000xi32, #tpu.memory_space<hbm>> -> memref<200xi32, #tpu.memory_space<hbm>>
      %dma_wait3A_531 = tpu.memref_slice %arg3[%mul3A_529] : memref<100000xi32, #tpu.memory_space<hbm>> -> memref<200xi32, #tpu.memory_space<hbm>>
      tpu.wait_dma2 semaphore(%arg16 : memref<!tpu.dma_semaphore, #tpu.memory_space<semaphore_mem>>) src(%dma_wait3A_531 : memref<200xi32, #tpu.memory_space<hbm>>) dst(%arg8 : memref<200xi32, #tpu.memory_space<vmem>>)
    } else {
    }
    %convert_element_type3A_457 = arith.extui %lt3A_1 : i1 to i32
    %cond3A_458 = arith.constant 0 : i32
    %cond3A_459 = arith.cmpi ne, %convert_element_type3A_457, %cond3A_458 : i32
    scf.if %cond3A_459 {
      %dma_start3A_526 = arith.constant 0 : i32
      %dma_start3A_527 = arith.constant 0 : i32
      %dma_start3A_528 = tpu.memref_slice %arg2[%dma_start3A_526, %dma_start3A_527] : memref<25000x128xf32, #tpu.memory_space<hbm>> -> memref<25000x128xf32, #tpu.memory_space<hbm>>
      tpu.enqueue_indirect_dma source(%dma_start3A_528 : memref<25000x128xf32, #tpu.memory_space<hbm>>) target(%arg12 : memref<200x128xf32, #tpu.memory_space<vmem>>) offsets(%arg8 : memref<200xi32, #tpu.memory_space<vmem>>) semaphore(%arg20 : memref<!tpu.dma_semaphore, #tpu.memory_space<semaphore_mem>>)
    } else {
    }
    %dma_wait3A_460 = arith.constant 0 : i32
    %dma_wait3A_461 = arith.constant 0 : i32
    %dma_wait3A_462 = tpu.memref_slice %arg2[%dma_wait3A_460, %dma_wait3A_461] : memref<25000x128xf32, #tpu.memory_space<hbm>> -> memref<25000x128xf32, #tpu.memory_space<hbm>>
    tpu.wait_indirect_dma semaphore(%arg17 : memref<!tpu.dma_semaphore, #tpu.memory_space<semaphore_mem>>) src(%dma_wait3A_462 : memref<25000x128xf32, #tpu.memory_space<hbm>>) dst(%arg9 : memref<200x128xf32, #tpu.memory_space<vmem>>)
    %add3A_463 = arith.constant 384 : i32
    %add3A_464 = arith.addi %add3A, %add3A_463 : i32
    %mul3A_465 = arith.constant 200 : i32
    %mul3A_466 = arith.muli %add3A_464, %mul3A_465 : i32
    %dma_start3A_467 = arith.constant 0 : i32
    %dma_start3A_468 = tpu.memref_slice %arg4[%mul3A_466, %dma_start3A_467] : memref<100000x128xf32, #tpu.memory_space<hbm>> -> memref<200x128xf32, #tpu.memory_space<hbm>>
    %dma_start3A_469 = arith.constant 0 : i32
    %dma_start3A_470 = tpu.memref_slice %arg4[%mul3A_466, %dma_start3A_469] : memref<100000x128xf32, #tpu.memory_space<hbm>> -> memref<200x128xf32, #tpu.memory_space<hbm>>
    tpu.enqueue_dma source(%arg9 : memref<200x128xf32, #tpu.memory_space<vmem>>) target(%dma_start3A_470 : memref<200x128xf32, #tpu.memory_space<hbm>>) target_semaphore(%arg21 : memref<!tpu.dma_semaphore, #tpu.memory_space<semaphore_mem>>)
    %add3A_471 = arith.constant 384 : i32
    %add3A_472 = arith.addi %add3A, %add3A_471 : i32
    %mul3A_473 = arith.constant 200 : i32
    %mul3A_474 = arith.muli %add3A_472, %mul3A_473 : i32
    %dma_wait3A_475 = arith.constant 0 : i32
    %dma_wait3A_476 = tpu.memref_slice %arg4[%mul3A_474, %dma_wait3A_475] : memref<100000x128xf32, #tpu.memory_space<hbm>> -> memref<200x128xf32, #tpu.memory_space<hbm>>
    %dma_wait3A_477 = arith.constant 0 : i32
    %dma_wait3A_478 = tpu.memref_slice %arg4[%mul3A_474, %dma_wait3A_477] : memref<100000x128xf32, #tpu.memory_space<hbm>> -> memref<200x128xf32, #tpu.memory_space<hbm>>
    tpu.wait_dma2 semaphore(%arg21 : memref<!tpu.dma_semaphore, #tpu.memory_space<semaphore_mem>>) src(%arg9 : memref<200x128xf32, #tpu.memory_space<vmem>>) dst(%dma_wait3A_478 : memref<200x128xf32, #tpu.memory_space<hbm>>)
    %dma_wait3A_479 = arith.constant 0 : i32
    %dma_wait3A_480 = arith.constant 0 : i32
    %dma_wait3A_481 = tpu.memref_slice %arg2[%dma_wait3A_479, %dma_wait3A_480] : memref<25000x128xf32, #tpu.memory_space<hbm>> -> memref<25000x128xf32, #tpu.memory_space<hbm>>
    tpu.wait_indirect_dma semaphore(%arg18 : memref<!tpu.dma_semaphore, #tpu.memory_space<semaphore_mem>>) src(%dma_wait3A_481 : memref<25000x128xf32, #tpu.memory_space<hbm>>) dst(%arg10 : memref<200x128xf32, #tpu.memory_space<vmem>>)
    %add3A_482 = arith.constant 416 : i32
    %add3A_483 = arith.addi %add3A, %add3A_482 : i32
    %mul3A_484 = arith.constant 200 : i32
    %mul3A_485 = arith.muli %add3A_483, %mul3A_484 : i32
    %dma_start3A_486 = arith.constant 0 : i32
    %dma_start3A_487 = tpu.memref_slice %arg4[%mul3A_485, %dma_start3A_486] : memref<100000x128xf32, #tpu.memory_space<hbm>> -> memref<200x128xf32, #tpu.memory_space<hbm>>
    %dma_start3A_488 = arith.constant 0 : i32
    %dma_start3A_489 = tpu.memref_slice %arg4[%mul3A_485, %dma_start3A_488] : memref<100000x128xf32, #tpu.memory_space<hbm>> -> memref<200x128xf32, #tpu.memory_space<hbm>>
    tpu.enqueue_dma source(%arg10 : memref<200x128xf32, #tpu.memory_space<vmem>>) target(%dma_start3A_489 : memref<200x128xf32, #tpu.memory_space<hbm>>) target_semaphore(%arg22 : memref<!tpu.dma_semaphore, #tpu.memory_space<semaphore_mem>>)
    %add3A_490 = arith.constant 416 : i32
    %add3A_491 = arith.addi %add3A, %add3A_490 : i32
    %mul3A_492 = arith.constant 200 : i32
    %mul3A_493 = arith.muli %add3A_491, %mul3A_492 : i32
    %dma_wait3A_494 = arith.constant 0 : i32
    %dma_wait3A_495 = tpu.memref_slice %arg4[%mul3A_493, %dma_wait3A_494] : memref<100000x128xf32, #tpu.memory_space<hbm>> -> memref<200x128xf32, #tpu.memory_space<hbm>>
    %dma_wait3A_496 = arith.constant 0 : i32
    %dma_wait3A_497 = tpu.memref_slice %arg4[%mul3A_493, %dma_wait3A_496] : memref<100000x128xf32, #tpu.memory_space<hbm>> -> memref<200x128xf32, #tpu.memory_space<hbm>>
    tpu.wait_dma2 semaphore(%arg22 : memref<!tpu.dma_semaphore, #tpu.memory_space<semaphore_mem>>) src(%arg10 : memref<200x128xf32, #tpu.memory_space<vmem>>) dst(%dma_wait3A_497 : memref<200x128xf32, #tpu.memory_space<hbm>>)
    %dma_wait3A_498 = arith.constant 0 : i32
    %dma_wait3A_499 = arith.constant 0 : i32
    %dma_wait3A_500 = tpu.memref_slice %arg2[%dma_wait3A_498, %dma_wait3A_499] : memref<25000x128xf32, #tpu.memory_space<hbm>> -> memref<25000x128xf32, #tpu.memory_space<hbm>>
    tpu.wait_indirect_dma semaphore(%arg19 : memref<!tpu.dma_semaphore, #tpu.memory_space<semaphore_mem>>) src(%dma_wait3A_500 : memref<25000x128xf32, #tpu.memory_space<hbm>>) dst(%arg11 : memref<200x128xf32, #tpu.memory_space<vmem>>)
    %add3A_501 = arith.constant 448 : i32
    %add3A_502 = arith.addi %add3A, %add3A_501 : i32
    %mul3A_503 = arith.constant 200 : i32
    %mul3A_504 = arith.muli %add3A_502, %mul3A_503 : i32
    %dma_start3A_505 = arith.constant 0 : i32
    %dma_start3A_506 = tpu.memref_slice %arg4[%mul3A_504, %dma_start3A_505] : memref<100000x128xf32, #tpu.memory_space<hbm>> -> memref<200x128xf32, #tpu.memory_space<hbm>>
    %dma_start3A_507 = arith.constant 0 : i32
    %dma_start3A_508 = tpu.memref_slice %arg4[%mul3A_504, %dma_start3A_507] : memref<100000x128xf32, #tpu.memory_space<hbm>> -> memref<200x128xf32, #tpu.memory_space<hbm>>
    tpu.enqueue_dma source(%arg11 : memref<200x128xf32, #tpu.memory_space<vmem>>) target(%dma_start3A_508 : memref<200x128xf32, #tpu.memory_space<hbm>>) target_semaphore(%arg23 : memref<!tpu.dma_semaphore, #tpu.memory_space<semaphore_mem>>)
    %add3A_509 = arith.constant 448 : i32
    %add3A_510 = arith.addi %add3A, %add3A_509 : i32
    %mul3A_511 = arith.constant 200 : i32
    %mul3A_512 = arith.muli %add3A_510, %mul3A_511 : i32
    %dma_wait3A_513 = arith.constant 0 : i32
    %dma_wait3A_514 = tpu.memref_slice %arg4[%mul3A_512, %dma_wait3A_513] : memref<100000x128xf32, #tpu.memory_space<hbm>> -> memref<200x128xf32, #tpu.memory_space<hbm>>
    %dma_wait3A_515 = arith.constant 0 : i32
    %dma_wait3A_516 = tpu.memref_slice %arg4[%mul3A_512, %dma_wait3A_515] : memref<100000x128xf32, #tpu.memory_space<hbm>> -> memref<200x128xf32, #tpu.memory_space<hbm>>
    tpu.wait_dma2 semaphore(%arg23 : memref<!tpu.dma_semaphore, #tpu.memory_space<semaphore_mem>>) src(%arg11 : memref<200x128xf32, #tpu.memory_space<vmem>>) dst(%dma_wait3A_516 : memref<200x128xf32, #tpu.memory_space<hbm>>)
    %convert_element_type3A_517 = arith.extui %lt3A_1 : i1 to i32
    %cond3A_518 = arith.constant 0 : i32
    %cond3A_519 = arith.cmpi ne, %convert_element_type3A_517, %cond3A_518 : i32
    scf.if %cond3A_519 {
      %dma_wait3A_526 = arith.constant 0 : i32
      %dma_wait3A_527 = arith.constant 0 : i32
      %dma_wait3A_528 = tpu.memref_slice %arg2[%dma_wait3A_526, %dma_wait3A_527] : memref<25000x128xf32, #tpu.memory_space<hbm>> -> memref<25000x128xf32, #tpu.memory_space<hbm>>
      tpu.wait_indirect_dma semaphore(%arg20 : memref<!tpu.dma_semaphore, #tpu.memory_space<semaphore_mem>>) src(%dma_wait3A_528 : memref<25000x128xf32, #tpu.memory_space<hbm>>) dst(%arg12 : memref<200x128xf32, #tpu.memory_space<vmem>>)
    } else {
    }
    %convert_element_type3A_520 = arith.extui %lt3A_1 : i1 to i32
    %cond3A_521 = arith.constant 0 : i32
    %cond3A_522 = arith.cmpi ne, %convert_element_type3A_520, %cond3A_521 : i32
    scf.if %cond3A_522 {
      %add3A_526 = arith.constant 480 : i32
      %add3A_527 = arith.addi %add3A, %add3A_526 : i32
      %mul3A_528 = arith.constant 200 : i32
      %mul3A_529 = arith.muli %add3A_527, %mul3A_528 : i32
      %dma_start3A_530 = arith.constant 0 : i32
      %dma_start3A_531 = tpu.memref_slice %arg4[%mul3A_529, %dma_start3A_530] : memref<100000x128xf32, #tpu.memory_space<hbm>> -> memref<200x128xf32, #tpu.memory_space<hbm>>
      %dma_start3A_532 = arith.constant 0 : i32
      %dma_start3A_533 = tpu.memref_slice %arg4[%mul3A_529, %dma_start3A_532] : memref<100000x128xf32, #tpu.memory_space<hbm>> -> memref<200x128xf32, #tpu.memory_space<hbm>>
      tpu.enqueue_dma source(%arg12 : memref<200x128xf32, #tpu.memory_space<vmem>>) target(%dma_start3A_533 : memref<200x128xf32, #tpu.memory_space<hbm>>) target_semaphore(%arg24 : memref<!tpu.dma_semaphore, #tpu.memory_space<semaphore_mem>>)
    } else {
    }
    %convert_element_type3A_523 = arith.extui %lt3A_1 : i1 to i32
    %cond3A_524 = arith.constant 0 : i32
    %cond3A_525 = arith.cmpi ne, %convert_element_type3A_523, %cond3A_524 : i32
    scf.if %cond3A_525 {
      %add3A_526 = arith.constant 480 : i32
      %add3A_527 = arith.addi %add3A, %add3A_526 : i32
      %mul3A_528 = arith.constant 200 : i32
      %mul3A_529 = arith.muli %add3A_527, %mul3A_528 : i32
      %dma_wait3A_530 = arith.constant 0 : i32
      %dma_wait3A_531 = tpu.memref_slice %arg4[%mul3A_529, %dma_wait3A_530] : memref<100000x128xf32, #tpu.memory_space<hbm>> -> memref<200x128xf32, #tpu.memory_space<hbm>>
      %dma_wait3A_532 = arith.constant 0 : i32
      %dma_wait3A_533 = tpu.memref_slice %arg4[%mul3A_529, %dma_wait3A_532] : memref<100000x128xf32, #tpu.memory_space<hbm>> -> memref<200x128xf32, #tpu.memory_space<hbm>>
      tpu.wait_dma2 semaphore(%arg24 : memref<!tpu.dma_semaphore, #tpu.memory_space<semaphore_mem>>) src(%arg12 : memref<200x128xf32, #tpu.memory_space<vmem>>) dst(%dma_wait3A_533 : memref<200x128xf32, #tpu.memory_space<hbm>>)
    } else {
    }
    return
  }
}

</mosaic_0001>

<sc_bundles>
// kernel: kernel.3.cloned.1.call-start
scs
__scs_entry_jumppad:
0x0: {  	(pc) =	sbr.rel $0x88, $3  }
0x1: {  	(tag) =	ssettag $0x0;
	lr =	simm.s32 $0x1  }
0x2: {  	[smem:$0x3F9F] =	sst lr;
	_ =	strace $0xD0000000  }
0x3: {  	_ = 	snop  }
0x4: {  	_ = 	snop  }
0x5: {  	_ = 	snop  }
0x6: {  	_ = 	snop  }
0x7: {  	_ = 	snop  }
__scs_overlays_trampoline_lowered:
0x8: {  	[smem:$0x3FAE] =	sst s0  }
0x9: {  	[smem:$0x3FAF] =	sst s1  }
0xa: {  	[smem:$0x3FB0] =	sst s2  }
0xb: {  	[smem:$0x3FB1] =	sst s3  }
0xc: {  	[smem:$0x3FB2] =	sst s4  }
0xd: {  	[smem:$0x3FB3] =	sst s5  }
0xe: {  	[smem:$0x3FB4] =	sst s6  }
0xf: {  	[smem:$0x3FB5] =	sst s7  }
0x10: {  	[smem:$0x3FB6] =	sst s8  }
0x11: {  	[smem:$0x3FB7] =	sst s9;
	s0 =	simm.s32 @!p0 $0x0  }
0x12: {  	s1 =	sld [smem:$0x3F9D];
	s0 =	simm.s32 @p0 $0x1  }
0x13: {  	[smem:$0x3FB8] =	sst s0;
	s0 =	simm.s32 @!p1 $0x0  }
0x14: {  	s2 =	sld [smem:$0x3F9C];
	s0 =	simm.s32 @p1 $0x1  }
0x15: {  	[smem:$0x3FB9] =	sst s0;
	s0 =	simm.s32 @!p2 $0x0  }
0x16: {  	s3 =	sld [smem:$0x3FDB];
	s0 =	simm.s32 @p2 $0x1  }
0x17: {  	s4 =	simm.s32 $0x1BF5;
	[smem:$0x3FBB] =	sst s0  }
0x18: {  	s0 =	sld [smem:$0x3F9E];
	_ =	swait.ge [sflag:s4], $0x0  }
0x19: {  	s7 =	sld [smem:$0x3F9F]  }
0x1a: {  	s8 =	sadd.s32 $0xFFFFE003, lr  }
0x1b: {  	s9 =	sadd.s32 $0xFFFFFEF7, lr;
	s5 =	simm.s32 $0xFFFFFFFF;
	p2 =	slt.u32 s8, $0xFFFFF086  }
0x1c: {  	p1 =	slt.u32 s9, $0xF7A;
	s5 =	simm.s32 @!p2 $0x0  }
0x1d: {  	s5 =	simm.s32 @p1 $0x1;
	p0 =	seq.s32 s7, s2  }
0x1e: {  	s7 =	smul.u32 @!p0 $0xF7A, s2;
	p2 =	seq.s32 @!p0 s5, $0x0  }
0x1f: {  	s9 =	smul.u32 $0xF7A, s1;
	s8 =	simm.s32 @!p0 $0x1BF5;
	p2 =	por !p2, p0  }
0x20: {  	[sflag:s8] =	ssyncset.s32 @!p0 $0xFFFFF086;
	s6 =	sadd.s32 @!p0 s3, s7;
	s7 =	simm.s32 @!p0 $0x108  }
0x21: {  	s3 =	sadd.s32 s3, s9;
	s6 =	sadd.s32 @!p0 $0x88, s6;
	s7 =	simm.s32 @p2 $0x1082  }
0x22: {  	[simem:s7], [sflag:s8] =	dma.local @!p0 [hbm:s6], $0xF7A  }
0x23: {  	s9 =	sor.u32 $0xD0000000, s2;
	s6 =	simm.s32 $0x108;
	_ =	swait.ge @!p0 [sflag:s8], $0x0  }
0x24: {  	s3 =	sadd.s32 $0x88, s3;
	s6 =	simm.s32 @!p1 $0x1082;
	[sflag:s4] =	ssyncset.s32 $0xFFFFF086  }
0x25: {  	[simem:s6], [sflag:s4] =	dma.local [hbm:s3], $0xF7A  }
0x26: {  	[smem:$0x3F9F] =	sst s1;
	(tag) =	ssettag s2;
	_ =	strace s9  }
0x27: {  	s1 =	sld [smem:$0x3FAF]  }
0x28: {  	s2 =	sld [smem:$0x3FB0]  }
0x29: {  	s4 =	sld [smem:$0x3FB2]  }
0x2a: {  	p0 =	seq.s32 s5, $0x0;
	s5 =	sld [smem:$0x3FB3]  }
0x2b: {  	s6 =	sld [smem:$0x3FB4]  }
0x2c: {  	s7 =	sld [smem:$0x3FB5]  }
0x2d: {  	s3 =	simm.s32 $0x108;
	s8 =	sld [smem:$0x3FB6]  }
0x2e: {  	s3 =	simm.s32 @!p0 $0x1082;
	s9 =	sld [smem:$0x3FB7]  }
0x2f: {  	lr =	sadd.s32 s0, s3;
	s0 =	sld [smem:$0x3FAE]  }
0x30: {  	s3 =	sld [smem:$0x3FB1]  }
0x31: {  	[smem:$0x3FBA] =	sst s10  }
0x32: {  	s10 =	sld [smem:$0x3FB8];
	_ =	sdelay $0x3  }
0x33: {  	p0 =	seq.s32 s10, $0x1;
	s10 =	sld [smem:$0x3FBA];
	_ =	sdelay $0x3  }
0x34: {  	[smem:$0x3FBA] =	sst s10  }
0x35: {  	s10 =	sld [smem:$0x3FB9];
	_ =	sdelay $0x3  }
0x36: {  	p1 =	seq.s32 s10, $0x1;
	s10 =	sld [smem:$0x3FBA];
	_ =	sdelay $0x3  }
0x37: {  	[smem:$0x3FBA] =	sst s10  }
0x38: {  	s10 =	sld [smem:$0x3FBB]  }
0x39: {  	_ = 	snop;
	(pc) =	sbr.ind lr, $3  }
0x3a: {  	_ = 	snop  }
0x3b: {  	_ = 	snop  }
0x3c: {  	p2 =	seq.s32 s10, $0x1;
	s10 =	sld [smem:$0x3FBA]  }
0x3d: {  	_ =	shalt  }
0x3e: {  	_ =	shalt  }
0x3f: {  	_ =	shalt  }
0x40: {  	_ =	shalt  }
0x41: {  	_ =	shalt  }
0x42: {  	_ =	shalt  }
0x43: {  	_ =	shalt  }
0x44: {  	_ =	shalt  }
0x45: {  	_ =	shalt  }
0x46: {  	_ =	shalt  }
0x47: {  	_ =	shalt  }
0x48: {  	_ =	shalt  }
0x49: {  	_ =	shalt  }
0x4a: {  	_ =	shalt  }
0x4b: {  	_ =	shalt  }
0x4c: {  	_ =	shalt  }
0x4d: {  	_ =	shalt  }
0x4e: {  	_ =	shalt  }
0x4f: {  	_ =	shalt  }
0x50: {  	_ =	shalt  }
0x51: {  	_ =	shalt  }
0x52: {  	_ =	shalt  }
0x53: {  	_ =	shalt  }
0x54: {  	_ =	shalt  }
0x55: {  	_ =	shalt  }
0x56: {  	_ =	shalt  }
0x57: {  	_ =	shalt  }
0x58: {  	_ =	shalt  }
0x59: {  	_ =	shalt  }
0x5a: {  	_ =	shalt  }
0x5b: {  	_ =	shalt  }
0x5c: {  	_ =	shalt  }
0x5d: {  	_ =	shalt  }
0x5e: {  	_ =	shalt  }
0x5f: {  	_ =	shalt  }
0x60: {  	_ =	shalt  }
0x61: {  	_ =	shalt  }
0x62: {  	_ =	shalt  }
0x63: {  	_ =	shalt  }
0x64: {  	_ =	shalt  }
0x65: {  	_ =	shalt  }
0x66: {  	_ =	shalt  }
0x67: {  	_ =	shalt  }
0x68: {  	_ =	shalt  }
0x69: {  	_ =	shalt  }
0x6a: {  	_ =	shalt  }
0x6b: {  	_ =	shalt  }
0x6c: {  	_ =	shalt  }
0x6d: {  	_ =	shalt  }
0x6e: {  	_ =	shalt  }
0x6f: {  	_ =	shalt  }
0x70: {  	_ =	shalt  }
0x71: {  	_ =	shalt  }
0x72: {  	_ =	shalt  }
0x73: {  	_ =	shalt  }
0x74: {  	_ =	shalt  }
0x75: {  	_ =	shalt  }
0x76: {  	_ =	shalt  }
0x77: {  	_ =	shalt  }
0x78: {  	_ =	shalt  }
0x79: {  	_ =	shalt  }
0x7a: {  	_ =	shalt  }
0x7b: {  	_ =	shalt  }
0x7c: {  	_ =	shalt  }
0x7d: {  	_ =	shalt  }
0x7e: {  	_ =	shalt  }
0x7f: {  	_ =	shalt  }
0x80: {  	_ =	shalt  }
0x81: {  	_ =	shalt  }
0x82: {  	_ =	shalt  }
0x83: {  	_ =	shalt  }
0x84: {  	_ =	shalt  }
0x85: {  	_ =	shalt  }
0x86: {  	_ =	shalt  }
0x87: {  	_ =	shalt  }
.Lfunc_end0:
.L_simem_size_0:
called_computation_lowered:
.L_overlay_start_0:
0x88: {  	s2 =	sld [smem:$0x3FD9]  }
0x89: {  	s3 =	sld [smem:$0x3FFE];
	_ =	sdelay $0x1  }
0x8a: {  	s1 =	srdreg.scid  }
0x8b: {  	s0 =	sand.u32 $0x1, s1  }
0x8c: {  	s17 =	sshll.u32 s0, $0xA;
	s2 =	sadd.s32 s3, s2  }
0x8d: {  	s2 =	sadd.s32 s2, s17  }
0x8e: {  	[smem:$0x3FC6] =	sst s2  }
0x8f: {  	_ = 	snop  }
0x90: {  	s2 =	sld [smem:$0x3FC9]  }
0x91: {  	s18 =	sld [smem:$0x3FD0];
	(tm) =	ssettm $0x1  }
0x92: {  	s4 =	sld [smem:$0x3FFB];
	_ =	sdelay $0x3  }
0x93: {  	_ =	strace s4  }
0x94: {  	s4 =	sld [smem:$0x3FFC];
	_ =	sdelay $0x3  }
0x95: {  	_ =	strace s4  }
0x96: {  	s4 =	sld [smem:$0x3FFD];
	_ =	sdelay $0x3  }
0x97: {  	_ =	strace s4  }
0x98: {  	_ =	strace $0x8FFFFFFF  }
0x99: {  	s19 =	sld [smem:$0x3FDB];
	_ =	sdelay $0x1  }
0x9a: {  	s5 =	simm.s32 $_scs_section_size  }
0x9b: {  	s6 =	simm.s32 $_size__tile_overlayer_lowered;
	s7 =	simm.s32 $_tile_overlayer_lowered  }
0x9c: {  	s22 =	simm.s32 $0x1BFF;
	s21 =	sshll.u32 s7, $0x1;
	s4 =	sadd.s32 s5, s19  }
0x9d: {  	s8 =	simm.s32 $0x0;
	s20 =	sshll.u32 s6, $0x1;
	s6 =	sadd.s32 s21, s4  }
0x9e: {  	[timem:s8], [sflag:s22] =	dma.local [hbm:s6], s20  }
0x9f: {  	_ =	swait.ge [sflag:s22], s20  }
0xa0: {  	s5 =	ssub.s32 $0x0, s20;
	[sflag:s22] =	ssyncset.done $0x0  }
0xa1: {  	[sflag:s22] =	ssyncadd.s32 s5;
	_ =	sdelay $0x1  }
0xa2: {  	s23 =	simm.s32 $0x1B8B  }
0xa3: {  	_ =	swait.ge [sflag:s23], $0x1  }
0xa4: {  	[sflag:s23] =	ssyncset.done $0x0  }
0xa5: {  	s25 =	simm.s32 $0x1B8E;
	s24 =	sld [smem:$0x3FFE];
	[sflag:s23] =	ssyncadd.s32 $0xFFFFFFFF  }
0xa6: {  	s26 =	simm.s32 $execute0_lowered;
	[smem:$0x3FD2] =	sst s25  }
0xa7: {  	s6 =	sshll.u32 s26, $0x1;
	_ =	strace $0x80000046;
	[dreg:$0x1] =	wrdreg $0xFFFFFFFF  }
0xa8: {  	s28 =	simm.s32 $_size_execute0_lowered;
	s4 =	sadd.s32 s4, s6;
	[dreg:$0x0] =	wrdreg $0x0  }
0xa9: {  	s6 =	sshll.u32 s28, $0x1;
	[dreg:$0x2] =	wrdreg s4  }
0xaa: {  	[dreg:$0x3] =	wrdreg s6  }
0xab: {  	[dreg:$0x4] =	wrdreg $0xC0  }
0xac: {  	_ =	task [dreg:s8], $0x5FFFF  }
0xad: {  	[dreg:$0x1] =	wrdreg $0xFFFFFFFF  }
0xae: {  	[dreg:$0x0] =	wrdreg $0x60  }
0xaf: {  	[dreg:$0x2] =	wrdreg s2  }
0xb0: {  	[dreg:$0x3] =	wrdreg s24  }
0xb1: {  	[dreg:$0x4] =	wrdreg s18  }
0xb2: {  	[dreg:$0x5] =	wrdreg $0x9  }
0xb3: {  	_ =	task.clear_ibuf [dreg:s8], $0x6FFFF;
	_ =	strace $0x90000046  }
0xb4: {  	s29 =	simm.s32 $0x9;
	_ =	strace $0x80000048  }
0xb5: {  	_ =	swait.ge [sflag:s29], $0x1  }
0xb6: {  	[sflag:s29] =	ssyncadd.s32 $0xFFFFFFFF  }
0xb7: {  	_ =	strace $0x90000048  }
0xb8: {  	_ =	sfence  }
0xb9: {  	s30 =	sld [smem:$0x0];
	_ =	sdelay $0x2  }
0xba: {  	s31 =	sshll.u32 s1, $0xD;
	s1 =	sshrl.u32 s1, $0x2  }
0xbb: {  	s3 =	sand.u32 $0x4000, s31;
	s1 =	sadd.s32 s1, s30  }
0xbc: {  	s0 =	sor.u32 s3, s0;
	s1 =	sshll.u32 s1, $0x11  }
0xbd: {  	s0 =	sor.u32 s1, s0  }
0xbe: {  	s0 =	sadd.s32 $0x8F2B, s0  }
0xbf: {  	[sflag:s0] =	ssyncadd.remote.s32 $0x1  }
0xc0: {  	_ =	sfence.sel $0xFFFF  }
0xc1: {  	[dreg:$0x0] =	wrdreg $0xFFFFFFFF;
	(pc) =	sbr.abs _section_cstart, $3  }
0xc2: {  	[dreg:$0x1] =	wrdreg $0xFFFFFFFF  }
0xc3: {  	_ =	task.clear_ibuf [dreg:s8], $0x2FFFF;
	_ =	strace $0x9FFFFFFF  }
0xc4: {  	(tm) =	ssettm $0x7FFFFFFF  }
0xc5: {  	_ =	shalt  }
tec
execute0_lowered:
.L_overlay_start_1:
0x0: {  	(tag) =	ssettag $0x1  }
0x1: {  	s3 =	rddreg [dreg:$0x0]  }
0x2: {  	s0 =	srdreg.scid;
	s25 =	stileid.u32  }
0x3: {  	s4 =	rddreg [dreg:$0x1];
	s6 =	sand.u32 $0x1, s0;
	s1 =	sshll.u32 s25, $0x1  }
0x4: {  	s28 =	rddreg [dreg:$0x3];
	s1 =	sor.u32 s6, s1  }
0x5: {  	s2 =	simm.s32 $0x0;
	s0 =	rddreg [dreg:$0x2];
	s5 =	smul.u32 $0xC8, s1  }
0x6: {  	p1 =	por $0x0, $0x0;
	[smem:$0x7FF] =	sst s2;
	s7 =	smul.u32 $0x19, s1  }
0x7: {  	p0 =	sgt.u32 s25, $0x9;
	_ =	strace $0x80000047;
	s13 =	smul.u32 $0xC80, s1  }
0x8: {  	s6 =	ssub.s32 $0x2, s6;
	s1 =	smul.u32 $0x6400, s1;
	s8 =	sadd.s32 $0x1900, s5  }
0x9: {  	s7 =	sadd.s32 s4, s7;
	s10 =	sadd.s32 $0x3200, s5;
	s26 =	sadd.s32 $0x4B00, s5  }
0xa: {  	s11 =	sadd.s32 $0x6400, s5;
	s14 =	sadd.s32 s0, s13;
	s18 =	sadd.s32 $0x9600, s5  }
0xb: {  	s13 =	sadd.s32 $0xAF00, s5;
	s1 =	sshrl.u32 s1, $0x3;
	s9 =	sshrl.u32 s8, $0x3  }
0xc: {  	[dreg:$0x4] =	wrdreg s7;
	s23 =	sshrl.u32 s10, $0x3;
	s29 =	sshrl.u32 s26, $0x3  }
0xd: {  	s12 =	sshrl.u32 s11, $0x3;
	[dreg:$0x9] =	wrdreg s14;
	s8 =	sshll.u32 s8, $0x4  }
0xe: {  	s19 =	sshrl.u32 s18, $0x3;
	s10 =	sshll.u32 s10, $0x4;
	s21 =	sshrl.u32 s13, $0x3  }
0xf: {  	s1 =	sadd.s32 s0, s1;
	s22 =	sadd.s32 s4, s9;
	s24 =	sadd.s32 s4, s23  }
0x10: {  	s7 =	sadd.s32 s4, s29;
	s30 =	sadd.s32 s4, s12;
	s31 =	rddreg [dreg:$0x4]  }
0x11: {  	s12 =	sadd.s32 $0x7D00, s5;
	s17 =	sadd.s32 s0, s8;
	[dreg:$0x5] =	wrdreg s22  }
0x12: {  	s20 =	sadd.s32 s0, s10;
	s9 =	sshll.u32 s26, $0x4;
	[dreg:$0x6] =	wrdreg s24  }
0x13: {  	s26 =	sshll.u32 s11, $0x4;
	s11 =	sadd.s32 $0xE100, s5;
	[dreg:$0x7] =	wrdreg s7  }
0x14: {  	s10 =	sadd.s32 $0xFA00, s5;
	s8 =	sshll.u32 s18, $0x4;
	[dreg:$0x8] =	wrdreg s30  }
0x15: {  	s15 =	sshrl.u32 s12, $0x3;
	[dreg:$0xb] =	wrdreg s17;
	s7 =	sadd.s32 s4, s19  }
0x16: {  	[dreg:$0xd] =	wrdreg s20;
	s22 =	sadd.s32 s4, s21;
	s23 =	sadd.s32 s0, s9  }
0x17: {  	s9 =	sadd.s32 $0xC800, s5;
	s29 =	sadd.s32 s0, s26;
	s30 =	sshrl.u32 s11, $0x3  }
0x18: {  	s17 =	sshrl.u32 s10, $0x3;
	s18 =	sadd.s32 s0, s8;
	[dreg:$0xc] =	wrdreg s7  }
0x19: {  	s21 =	sshll.u32 s13, $0x4;
	s10 =	sshll.u32 s10, $0x4;
	[dreg:$0xe] =	wrdreg s22  }
0x1a: {  	s13 =	simm.s32 $0x5;
	s8 =	simm.s32 $0xA;
	[dreg:$0xf] =	wrdreg s23  }
0x1b: {  	s16 =	sadd.s32 s4, s15;
	s24 =	sshrl.u32 s9, $0x3;
	[dreg:$0x11] =	wrdreg s29  }
0x1c: {  	s14 =	sadd.s32 s4, s30;
	s15 =	sshll.u32 s12, $0x4;
	s12 =	sadd.s32 $0x11300, s5  }
0x1d: {  	[dreg:$0x15] =	wrdreg s18;
	s22 =	sadd.s32 s0, s21;
	s23 =	sadd.s32 $0x12C00, s5  }
0x1e: {  	s9 =	sshll.u32 s9, $0x4;
	[dreg:$0xa] =	wrdreg s16;
	s7 =	sadd.s32 s4, s24  }
0x1f: {  	[dreg:$0x12] =	wrdreg s14;
	s16 =	sadd.s32 s0, s15;
	s19 =	sshrl.u32 s12, $0x3  }
0x20: {  	s24 =	sshrl.u32 s6, $0x1;
	[dreg:$0x17] =	wrdreg s22;
	s26 =	sshrl.u32 s23, $0x3  }
0x21: {  	s14 =	sadd.s32 $0x14500, s5;
	s29 =	sadd.s32 s0, s9;
	s15 =	sshll.u32 s11, $0x4  }
0x22: {  	s22 =	sshll.u32 s12, $0x4;
	s12 =	simm.s32 $0x9;
	[dreg:$0x10] =	wrdreg s7  }
0x23: {  	[dreg:$0x13] =	wrdreg s16;
	s7 =	sadd.s32 s4, s17;
	s20 =	sadd.s32 s4, s19  }
0x24: {  	s30 =	sshrl.u32 s14, $0x3;
	[dreg:$0x19] =	wrdreg s29;
	s16 =	sadd.s32 s0, s15  }
0x25: {  	s17 =	sadd.s32 $0x15E00, s5;
	s6 =	ssub.s32 s6, s24;
	s5 =	sshrl.u32 s5, $0x3  }
0x26: {  	s19 =	sadd.s32 s0, s10;
	s11 =	sadd.s32 s0, s22;
	s29 =	sadd.s32 $0x177000, s1  }
0x27: {  	s15 =	simm.s32 $0xC8;
	s22 =	simm.s32 $0x4;
	[dreg:$0x14] =	wrdreg s7  }
0x28: {  	s10 =	simm.s32 $0x6;
	[dreg:$0x16] =	wrdreg s20;
	s7 =	sadd.s32 s4, s26  }
0x29: {  	s9 =	sadd.s32 s4, s30;
	[dreg:$0x1b] =	wrdreg s16;
	s18 =	sshrl.u32 s17, $0x3  }
0x2a: {  	[dreg:$0x1d] =	wrdreg s19;
	s20 =	sshll.u32 s23, $0x4;
	s23 =	sshll.u32 s14, $0x4  }
0x2b: {  	s24 =	sshll.u32 s17, $0x4;
	[smem:$0x7FD] =	sst s29;
	s30 =	smax.u32 s6, $0x1  }
0x2c: {  	s17 =	simm.s32 $0x100;
	s14 =	simm.s32 $0x200;
	s19 =	simm.s32 $0x2  }
0x2d: {  	s16 =	simm.s32 $0x3;
	s6 =	simm.s32 $0xB;
	[dreg:$0x18] =	wrdreg s7  }
0x2e: {  	[dreg:$0x1a] =	wrdreg s9;
	s7 =	sadd.s32 s4, s18;
	s26 =	sadd.s32 s0, s24  }
0x2f: {  	s4 =	sadd.s32 s4, s5;
	[smem:$0x7FC] =	sst s26;
	s26 =	sadd.s32 $0xFFFFFFFF, s30  }
0x30: {  	s21 =	sadd.s32 s0, s20;
	s20 =	simm.s32 $0x1;
	p2 =	sne.s32 s26, $0x0  }
.Ltmp0:
0x31: {  	s9 =	simm.s32 $0x400;
	s5 =	simm.s32 $0x6800;
	(pc) =	sbr.rel @!p2 .LBB2_1-.Ltmp0, $4  }
0x32: {  	s18 =	simm.s32 $0x8;
	s24 =	simm.s32 $0xC;
	[dreg:$0x1c] =	wrdreg s7  }
0x33: {  	s4 =	sadd.s32 $0x2EE0, s4;
	[dreg:$0x1f] =	wrdreg s21;
	s21 =	simm.s32 $0x300  }
0x34: {  	s7 =	simm.s32 $0x7;
	[dreg:$0x1e] =	wrdreg s4;
	s4 =	sadd.s32 s0, s23  }
0x35: {  	s23 =	simm.s32 $0x13000;
	[smem:$0x7FB] =	sst s4;
	s4 =	simm.s32 $0xCC00  }
0x36: {  	[tilespmem:s2], [sflag:$0x1] =	stream.linear.gather [hbm4b:s31+s2], $0xC8, $0x38;
	[tilespmem:$0x19400] =	vst v63  }
0x37: {  	s0 =	rddreg [dreg:$0x5]  }
0x38: {  	[tilespmem:s17], [sflag:$0x2] =	stream.linear.gather [hbm4b:s0+s2], $0xC8, $0x38;
	[tilespmem:$0x19400] =	vst v63  }
0x39: {  	s1 =	rddreg [dreg:$0x6]  }
0x3a: {  	[tilespmem:s14], [sflag:$0x3] =	stream.linear.gather [hbm4b:s1+s2], $0xC8, $0x38;
	[tilespmem:$0x19400] =	vst v63  }
0x3b: {  	s25 =	rddreg [dreg:$0x7]  }
0x3c: {  	[tilespmem:s21], [sflag:$0x4] =	stream.linear.gather [hbm4b:s25+s2], $0xC8, $0x38;
	[tilespmem:$0x19400] =	vst v63  }
0x3d: {  	_ =	swait.ge [sflag:s20], $0xC8  }
0x3e: {  	[sflag:s20] =	ssyncset.done $0x0  }
0x3f: {  	[sflag:s20] =	ssyncadd.s32 $0xFFFFFF38  }
0x40: {  	[tilespmem:s9], [sflag:$0x5] =	stream.indirect.gather [hbm4b:s3+s15], $0x80, s2, s15, $0xb8;
	[tilespmem:$0x19400] =	vst v63  }
0x41: {  	_ =	swait.ge [sflag:s19], $0xC8  }
0x42: {  	[sflag:s19] =	ssyncset.done $0x0  }
0x43: {  	[sflag:s19] =	ssyncadd.s32 $0xFFFFFF38  }
0x44: {  	[tilespmem:s5], [sflag:$0x6] =	stream.indirect.gather [hbm4b:s3+s15], $0x80, s17, s15, $0xb8;
	[tilespmem:$0x19400] =	vst v63  }
0x45: {  	_ =	swait.ge [sflag:s16], $0xC8  }
0x46: {  	[sflag:s16] =	ssyncset.done $0x0  }
0x47: {  	[sflag:s16] =	ssyncadd.s32 $0xFFFFFF38  }
0x48: {  	[tilespmem:s4], [sflag:$0x7] =	stream.indirect.gather [hbm4b:s3+s15], $0x80, s14, s15, $0xb8;
	[tilespmem:$0x19400] =	vst v63  }
0x49: {  	_ =	swait.ge [sflag:s22], $0xC8  }
0x4a: {  	[sflag:s22] =	ssyncset.done $0x0  }
0x4b: {  	[sflag:s22] =	ssyncadd.s32 $0xFFFFFF38  }
0x4c: {  	[tilespmem:s23], [sflag:$0x8] =	stream.indirect.gather [hbm4b:s3+s15], $0x80, s21, s15, $0xb8;
	[tilespmem:$0x19400] =	vst v63  }
0x4d: {  	_ =	swait.ge [sflag:s13], $0x6400  }
0x4e: {  	[sflag:s13] =	ssyncset.done $0x0  }
0x4f: {  	s1 =	rddreg [dreg:$0x8];
	[sflag:s13] =	ssyncadd.s32 $0xFFFF9C00  }
0x50: {  	[tilespmem:s2], [sflag:$0x1] =	stream.linear.gather [hbm4b:s1+s2], $0xC8, $0x38;
	[tilespmem:$0x19400] =	vst v63  }
0x51: {  	s25 =	rddreg [dreg:$0x9]  }
0x52: {  	[hbm4b:s25+s2] =	stream.linear.scatter [tilespmem:s9], [sflag:$0x9], $0x6400, $0x38;
	[tilespmem:$0x19400] =	vst v63  }
0x53: {  	_ =	swait.ge [sflag:s12], $0x6400  }
0x54: {  	[sflag:s12] =	ssyncset.done $0x0  }
0x55: {  	[sflag:s12] =	ssyncadd.s32 $0xFFFF9C00  }
0x56: {  	_ =	swait.ge [sflag:s20], $0xC8  }
0x57: {  	[sflag:s20] =	ssyncset.done $0x0  }
0x58: {  	[sflag:s20] =	ssyncadd.s32 $0xFFFFFF38  }
0x59: {  	[tilespmem:s9], [sflag:$0x5] =	stream.indirect.gather [hbm4b:s3+s15], $0x80, s2, s15, $0xb8;
	[tilespmem:$0x19400] =	vst v63  }
0x5a: {  	_ =	swait.ge [sflag:s10], $0x6400  }
0x5b: {  	[sflag:s10] =	ssyncset.done $0x0  }
0x5c: {  	s1 =	rddreg [dreg:$0xa];
	[sflag:s10] =	ssyncadd.s32 $0xFFFF9C00  }
0x5d: {  	[tilespmem:s17], [sflag:$0x2] =	stream.linear.gather [hbm4b:s1+s2], $0xC8, $0x38;
	[tilespmem:$0x19400] =	vst v63  }
0x5e: {  	s25 =	rddreg [dreg:$0xb]  }
0x5f: {  	[hbm4b:s25+s2] =	stream.linear.scatter [tilespmem:s5], [sflag:$0xA], $0x6400, $0x38;
	[tilespmem:$0x19400] =	vst v63  }
0x60: {  	_ =	swait.ge [sflag:s8], $0x6400  }
0x61: {  	[sflag:s8] =	ssyncset.done $0x0  }
0x62: {  	[sflag:s8] =	ssyncadd.s32 $0xFFFF9C00  }
0x63: {  	_ =	swait.ge [sflag:s19], $0xC8  }
0x64: {  	[sflag:s19] =	ssyncset.done $0x0  }
0x65: {  	[sflag:s19] =	ssyncadd.s32 $0xFFFFFF38  }
0x66: {  	[tilespmem:s5], [sflag:$0x6] =	stream.indirect.gather [hbm4b:s3+s15], $0x80, s17, s15, $0xb8;
	[tilespmem:$0x19400] =	vst v63  }
0x67: {  	_ =	swait.ge [sflag:s7], $0x6400  }
0x68: {  	[sflag:s7] =	ssyncset.done $0x0  }
0x69: {  	s1 =	rddreg [dreg:$0xc];
	[sflag:s7] =	ssyncadd.s32 $0xFFFF9C00  }
0x6a: {  	[tilespmem:s14], [sflag:$0x3] =	stream.linear.gather [hbm4b:s1+s2], $0xC8, $0x38;
	[tilespmem:$0x19400] =	vst v63  }
0x6b: {  	s25 =	rddreg [dreg:$0xd]  }
0x6c: {  	[hbm4b:s25+s2] =	stream.linear.scatter [tilespmem:s4], [sflag:$0xB], $0x6400, $0x38;
	[tilespmem:$0x19400] =	vst v63  }
0x6d: {  	_ =	swait.ge [sflag:s6], $0x6400  }
0x6e: {  	[sflag:s6] =	ssyncset.done $0x0  }
0x6f: {  	[sflag:s6] =	ssyncadd.s32 $0xFFFF9C00  }
0x70: {  	_ =	swait.ge [sflag:s16], $0xC8  }
0x71: {  	[sflag:s16] =	ssyncset.done $0x0  }
0x72: {  	[sflag:s16] =	ssyncadd.s32 $0xFFFFFF38  }
0x73: {  	[tilespmem:s4], [sflag:$0x7] =	stream.indirect.gather [hbm4b:s3+s15], $0x80, s14, s15, $0xb8;
	[tilespmem:$0x19400] =	vst v63  }
0x74: {  	_ =	swait.ge [sflag:s18], $0x6400  }
0x75: {  	[sflag:s18] =	ssyncset.done $0x0  }
0x76: {  	s1 =	rddreg [dreg:$0xe];
	[sflag:s18] =	ssyncadd.s32 $0xFFFF9C00  }
0x77: {  	[tilespmem:s21], [sflag:$0x4] =	stream.linear.gather [hbm4b:s1+s2], $0xC8, $0x38;
	[tilespmem:$0x19400] =	vst v63  }
0x78: {  	s25 =	rddreg [dreg:$0xf]  }
0x79: {  	[hbm4b:s25+s2] =	stream.linear.scatter [tilespmem:s23], [sflag:$0xC], $0x6400, $0x38;
	[tilespmem:$0x19400] =	vst v63  }
0x7a: {  	_ =	swait.ge [sflag:s24], $0x6400  }
0x7b: {  	[sflag:s24] =	ssyncset.done $0x0  }
0x7c: {  	[sflag:s24] =	ssyncadd.s32 $0xFFFF9C00  }
0x7d: {  	_ =	swait.ge [sflag:s22], $0xC8  }
0x7e: {  	[sflag:s22] =	ssyncset.done $0x0  }
0x7f: {  	[sflag:s22] =	ssyncadd.s32 $0xFFFFFF38  }
0x80: {  	[tilespmem:s23], [sflag:$0x8] =	stream.indirect.gather [hbm4b:s3+s15], $0x80, s21, s15, $0xb8;
	[tilespmem:$0x19400] =	vst v63  }
0x81: {  	_ =	swait.ge [sflag:s13], $0x6400  }
0x82: {  	[sflag:s13] =	ssyncset.done $0x0  }
0x83: {  	s1 =	rddreg [dreg:$0x10];
	[sflag:s13] =	ssyncadd.s32 $0xFFFF9C00  }
0x84: {  	[tilespmem:s2], [sflag:$0x1] =	stream.linear.gather [hbm4b:s1+s2], $0xC8, $0x38;
	[tilespmem:$0x19400] =	vst v63  }
0x85: {  	s25 =	rddreg [dreg:$0x11]  }
0x86: {  	[hbm4b:s25+s2] =	stream.linear.scatter [tilespmem:s9], [sflag:$0x9], $0x6400, $0x38;
	[tilespmem:$0x19400] =	vst v63  }
0x87: {  	_ =	swait.ge [sflag:s12], $0x6400  }
0x88: {  	[sflag:s12] =	ssyncset.done $0x0  }
0x89: {  	[sflag:s12] =	ssyncadd.s32 $0xFFFF9C00  }
0x8a: {  	_ =	swait.ge [sflag:s20], $0xC8  }
0x8b: {  	[sflag:s20] =	ssyncset.done $0x0  }
0x8c: {  	[sflag:s20] =	ssyncadd.s32 $0xFFFFFF38  }
0x8d: {  	[tilespmem:s9], [sflag:$0x5] =	stream.indirect.gather [hbm4b:s3+s15], $0x80, s2, s15, $0xb8;
	[tilespmem:$0x19400] =	vst v63  }
0x8e: {  	_ =	swait.ge [sflag:s10], $0x6400  }
0x8f: {  	[sflag:s10] =	ssyncset.done $0x0  }
0x90: {  	s1 =	rddreg [dreg:$0x12];
	[sflag:s10] =	ssyncadd.s32 $0xFFFF9C00  }
0x91: {  	[tilespmem:s17], [sflag:$0x2] =	stream.linear.gather [hbm4b:s1+s2], $0xC8, $0x38;
	[tilespmem:$0x19400] =	vst v63  }
0x92: {  	s25 =	rddreg [dreg:$0x13]  }
0x93: {  	[hbm4b:s25+s2] =	stream.linear.scatter [tilespmem:s5], [sflag:$0xA], $0x6400, $0x38;
	[tilespmem:$0x19400] =	vst v63  }
0x94: {  	_ =	swait.ge [sflag:s8], $0x6400  }
0x95: {  	[sflag:s8] =	ssyncset.done $0x0  }
0x96: {  	[sflag:s8] =	ssyncadd.s32 $0xFFFF9C00  }
0x97: {  	_ =	swait.ge [sflag:s19], $0xC8  }
0x98: {  	[sflag:s19] =	ssyncset.done $0x0  }
0x99: {  	[sflag:s19] =	ssyncadd.s32 $0xFFFFFF38  }
0x9a: {  	[tilespmem:s5], [sflag:$0x6] =	stream.indirect.gather [hbm4b:s3+s15], $0x80, s17, s15, $0xb8;
	[tilespmem:$0x19400] =	vst v63  }
0x9b: {  	_ =	swait.ge [sflag:s7], $0x6400  }
0x9c: {  	[sflag:s7] =	ssyncset.done $0x0  }
0x9d: {  	s1 =	rddreg [dreg:$0x14];
	[sflag:s7] =	ssyncadd.s32 $0xFFFF9C00  }
0x9e: {  	[tilespmem:s14], [sflag:$0x3] =	stream.linear.gather [hbm4b:s1+s2], $0xC8, $0x38;
	[tilespmem:$0x19400] =	vst v63  }
0x9f: {  	s25 =	rddreg [dreg:$0x15]  }
0xa0: {  	[hbm4b:s25+s2] =	stream.linear.scatter [tilespmem:s4], [sflag:$0xB], $0x6400, $0x38;
	[tilespmem:$0x19400] =	vst v63  }
0xa1: {  	_ =	swait.ge [sflag:s6], $0x6400  }
0xa2: {  	[sflag:s6] =	ssyncset.done $0x0  }
0xa3: {  	[sflag:s6] =	ssyncadd.s32 $0xFFFF9C00  }
0xa4: {  	_ =	swait.ge [sflag:s16], $0xC8  }
0xa5: {  	[sflag:s16] =	ssyncset.done $0x0  }
0xa6: {  	[sflag:s16] =	ssyncadd.s32 $0xFFFFFF38  }
0xa7: {  	[tilespmem:s4], [sflag:$0x7] =	stream.indirect.gather [hbm4b:s3+s15], $0x80, s14, s15, $0xb8;
	[tilespmem:$0x19400] =	vst v63  }
0xa8: {  	_ =	swait.ge [sflag:s18], $0x6400  }
0xa9: {  	[sflag:s18] =	ssyncset.done $0x0  }
0xaa: {  	s1 =	rddreg [dreg:$0x16];
	[sflag:s18] =	ssyncadd.s32 $0xFFFF9C00  }
0xab: {  	[tilespmem:s21], [sflag:$0x4] =	stream.linear.gather [hbm4b:s1+s2], $0xC8, $0x38;
	[tilespmem:$0x19400] =	vst v63  }
0xac: {  	s25 =	rddreg [dreg:$0x17]  }
0xad: {  	[hbm4b:s25+s2] =	stream.linear.scatter [tilespmem:s23], [sflag:$0xC], $0x6400, $0x38;
	[tilespmem:$0x19400] =	vst v63  }
0xae: {  	_ =	swait.ge [sflag:s24], $0x6400  }
0xaf: {  	[sflag:s24] =	ssyncset.done $0x0  }
0xb0: {  	[sflag:s24] =	ssyncadd.s32 $0xFFFF9C00  }
0xb1: {  	_ =	swait.ge [sflag:s22], $0xC8  }
0xb2: {  	[sflag:s22] =	ssyncset.done $0x0  }
0xb3: {  	[sflag:s22] =	ssyncadd.s32 $0xFFFFFF38  }
0xb4: {  	[tilespmem:s23], [sflag:$0x8] =	stream.indirect.gather [hbm4b:s3+s15], $0x80, s21, s15, $0xb8;
	[tilespmem:$0x19400] =	vst v63  }
0xb5: {  	_ =	swait.ge [sflag:s13], $0x6400  }
0xb6: {  	[sflag:s13] =	ssyncset.done $0x0  }
0xb7: {  	s1 =	rddreg [dreg:$0x18];
	[sflag:s13] =	ssyncadd.s32 $0xFFFF9C00  }
0xb8: {  	[tilespmem:s2], [sflag:$0x1] =	stream.linear.gather [hbm4b:s1+s2], $0xC8, $0x38;
	[tilespmem:$0x19400] =	vst v63  }
0xb9: {  	s25 =	rddreg [dreg:$0x19]  }
0xba: {  	[hbm4b:s25+s2] =	stream.linear.scatter [tilespmem:s9], [sflag:$0x9], $0x6400, $0x38;
	[tilespmem:$0x19400] =	vst v63  }
0xbb: {  	_ =	swait.ge [sflag:s12], $0x6400  }
0xbc: {  	[sflag:s12] =	ssyncset.done $0x0  }
0xbd: {  	[sflag:s12] =	ssyncadd.s32 $0xFFFF9C00  }
0xbe: {  	_ =	swait.ge [sflag:s20], $0xC8  }
0xbf: {  	[sflag:s20] =	ssyncset.done $0x0  }
0xc0: {  	[sflag:s20] =	ssyncadd.s32 $0xFFFFFF38  }
0xc1: {  	[tilespmem:s9], [sflag:$0x5] =	stream.indirect.gather [hbm4b:s3+s15], $0x80, s2, s15, $0xb8;
	[tilespmem:$0x19400] =	vst v63  }
0xc2: {  	_ =	swait.ge [sflag:s10], $0x6400  }
0xc3: {  	[sflag:s10] =	ssyncset.done $0x0  }
0xc4: {  	s1 =	rddreg [dreg:$0x1a];
	[sflag:s10] =	ssyncadd.s32 $0xFFFF9C00  }
0xc5: {  	[tilespmem:s17], [sflag:$0x2] =	stream.linear.gather [hbm4b:s1+s2], $0xC8, $0x38;
	[tilespmem:$0x19400] =	vst v63  }
0xc6: {  	s25 =	rddreg [dreg:$0x1b]  }
0xc7: {  	[hbm4b:s25+s2] =	stream.linear.scatter [tilespmem:s5], [sflag:$0xA], $0x6400, $0x38;
	[tilespmem:$0x19400] =	vst v63  }
0xc8: {  	_ =	swait.ge [sflag:s8], $0x6400  }
0xc9: {  	[sflag:s8] =	ssyncset.done $0x0  }
0xca: {  	[sflag:s8] =	ssyncadd.s32 $0xFFFF9C00  }
0xcb: {  	_ =	swait.ge [sflag:s19], $0xC8  }
0xcc: {  	[sflag:s19] =	ssyncset.done $0x0  }
0xcd: {  	[sflag:s19] =	ssyncadd.s32 $0xFFFFFF38  }
0xce: {  	[tilespmem:s5], [sflag:$0x6] =	stream.indirect.gather [hbm4b:s3+s15], $0x80, s17, s15, $0xb8;
	[tilespmem:$0x19400] =	vst v63  }
0xcf: {  	_ =	swait.ge [sflag:s7], $0x6400  }
0xd0: {  	[sflag:s7] =	ssyncset.done $0x0  }
0xd1: {  	s1 =	rddreg [dreg:$0x1c];
	[sflag:s7] =	ssyncadd.s32 $0xFFFF9C00  }
0xd2: {  	[tilespmem:s14], [sflag:$0x3] =	stream.linear.gather [hbm4b:s1+s2], $0xC8, $0x38;
	[tilespmem:$0x19400] =	vst v63  }
0xd3: {  	s25 =	rddreg [dreg:$0x1d]  }
0xd4: {  	[hbm4b:s25+s2] =	stream.linear.scatter [tilespmem:s4], [sflag:$0xB], $0x6400, $0x38;
	[tilespmem:$0x19400] =	vst v63  }
0xd5: {  	_ =	swait.ge [sflag:s6], $0x6400  }
0xd6: {  	[sflag:s6] =	ssyncset.done $0x0  }
0xd7: {  	[sflag:s6] =	ssyncadd.s32 $0xFFFF9C00  }
0xd8: {  	_ =	swait.ge [sflag:s16], $0xC8  }
0xd9: {  	[sflag:s16] =	ssyncset.done $0x0  }
0xda: {  	[sflag:s16] =	ssyncadd.s32 $0xFFFFFF38  }
0xdb: {  	[tilespmem:s4], [sflag:$0x7] =	stream.indirect.gather [hbm4b:s3+s15], $0x80, s14, s15, $0xb8;
	[tilespmem:$0x19400] =	vst v63  }
0xdc: {  	_ =	swait.ge [sflag:s18], $0x6400  }
0xdd: {  	s0 =	simm.s32 @p0 $0x0;
	[sflag:s18] =	ssyncset.done $0x0  }
0xde: {  	s1 =	simm.s32 @p0 $0xC;
	s25 =	simm.s32 @p0 $0x13000;
	[sflag:s18] =	ssyncadd.s32 $0xFFFF9C00  }
0xdf: {  	[hbm4b:s11+s0] =	stream.linear.scatter @p0 [tilespmem:s25], [sflag:$0xC], $0x6400, $0x38;
	[tilespmem:$0x19400] =	vst v63  }
0xe0: {  	_ =	swait.ge @p0 [sflag:s1], $0x6400  }
0xe1: {  	s30 =	simm.s32 @!p0 $0x0;
	[sflag:s1] =	ssyncset.done @p0 $0x0  }
0xe2: {  	s25 =	simm.s32 @!p0 $0x300;
	s0 =	rddreg [dreg:$0x1e];
	[sflag:s1] =	ssyncadd.s32 @p0 $0xFFFF9C00  }
0xe3: {  	[tilespmem:s25], [sflag:$0x4] =	stream.linear.gather @!p0 [hbm4b:s0+s30], $0xC8, $0x38;
	[tilespmem:$0x19400] =	vst v63  }
0xe4: {  	s29 =	simm.s32 @!p0 $0xC;
	s1 =	simm.s32 @!p0 $0x13000  }
0xe5: {  	[hbm4b:s11+s30] =	stream.linear.scatter @!p0 [tilespmem:s1], [sflag:$0xC], $0x6400, $0x38;
	[tilespmem:$0x19400] =	vst v63  }
0xe6: {  	_ =	swait.ge @!p0 [sflag:s29], $0x6400  }
0xe7: {  	[sflag:s29] =	ssyncset.done @!p0 $0x0  }
0xe8: {  	s0 =	simm.s32 @!p0 $0x4;
	[sflag:s29] =	ssyncadd.s32 @!p0 $0xFFFF9C00  }
0xe9: {  	_ =	swait.ge @!p0 [sflag:s0], $0xC8  }
0xea: {  	[sflag:s0] =	ssyncset.done @!p0 $0x0  }
0xeb: {  	s28 =	simm.s32 @!p0 $0xC8;
	[sflag:s0] =	ssyncadd.s32 @!p0 $0xFFFFFF38  }
0xec: {  	[tilespmem:s1], [sflag:$0x8] =	stream.indirect.gather @!p0 [hbm4b:s3+s28], $0x80, s25, s28, $0xb8;
	[tilespmem:$0x19400] =	vst v63  }
0xed: {  	_ =	swait.ge [sflag:s13], $0x6400  }
0xee: {  	[sflag:s13] =	ssyncset.done $0x0  }
0xef: {  	s28 =	rddreg [dreg:$0x1f];
	[sflag:s13] =	ssyncadd.s32 $0xFFFF9C00  }
0xf0: {  	[hbm4b:s28+s2] =	stream.linear.scatter [tilespmem:s9], [sflag:$0x9], $0x6400, $0x38;
	[tilespmem:$0x19400] =	vst v63  }
0xf1: {  	_ =	swait.ge [sflag:s12], $0x6400  }
0xf2: {  	[sflag:s12] =	ssyncset.done $0x0  }
0xf3: {  	[sflag:s12] =	ssyncadd.s32 $0xFFFF9C00  }
0xf4: {  	_ =	swait.ge [sflag:s10], $0x6400  }
0xf5: {  	s28 =	sld [smem:$0x7FB]  }
0xf6: {  	[sflag:s10] =	ssyncset.done $0x0  }
0xf7: {  	[sflag:s10] =	ssyncadd.s32 $0xFFFF9C00  }
0xf8: {  	[hbm4b:s28+s2] =	stream.linear.scatter [tilespmem:s5], [sflag:$0xA], $0x6400, $0x38;
	[tilespmem:$0x19400] =	vst v63  }
0xf9: {  	_ =	swait.ge [sflag:s8], $0x6400  }
0xfa: {  	[sflag:s8] =	ssyncset.done $0x0  }
0xfb: {  	[sflag:s8] =	ssyncadd.s32 $0xFFFF9C00  }
0xfc: {  	_ =	swait.ge [sflag:s7], $0x6400  }
0xfd: {  	s28 =	sld [smem:$0x7FC]  }
0xfe: {  	[sflag:s7] =	ssyncset.done $0x0  }
0xff: {  	[sflag:s7] =	ssyncadd.s32 $0xFFFF9C00  }
0x100: {  	[hbm4b:s28+s2] =	stream.linear.scatter [tilespmem:s4], [sflag:$0xB], $0x6400, $0x38;
	[tilespmem:$0x19400] =	vst v63  }
0x101: {  	_ =	swait.ge [sflag:s6], $0x6400  }
0x102: {  	[sflag:s6] =	ssyncset.done $0x0  }
0x103: {  	s28 =	simm.s32 @!p0 $0x8;
	[sflag:s6] =	ssyncadd.s32 $0xFFFF9C00  }
0x104: {  	s26 =	sadd.s32 $0xFFFFFFFF, s26;
	_ =	swait.ge @!p0 [sflag:s28], $0x6400  }
0x105: {  	p2 =	sne.s32 s26, $0x0;
	s31 =	sld [smem:$0x7FD]  }
.Ltmp1:
0x106: {  	[sflag:s28] =	ssyncset.done @!p0 $0x0;
	(pc) =	sbr.rel @!p2 .LBB2_3-.Ltmp1, $4  }
0x107: {  	[sflag:s28] =	ssyncadd.s32 @!p0 $0xFFFF9C00  }
0x108: {  	[hbm4b:s31+s30] =	stream.linear.scatter @!p0 [tilespmem:s1], [sflag:$0xC], $0x6400, $0x38;
	[tilespmem:$0x19400] =	vst v63  }
0x109: {  	p1 =	por $0x1, $0x1;
	_ =	swait.ge @!p0 [sflag:s29], $0x6400  }
0x10a: {  	s25 =	smov.u32 s11;
	s31 =	rddreg [dreg:$0x4];
	[sflag:s29] =	ssyncset.done @!p0 $0x0  }
.LBB2_4:
0x10b: {  	[sflag:s29] =	ssyncadd.s32 @!p0 $0xFFFF9C00  }
0x10c: {  	[tilespmem:s2], [sflag:$0x1] =	stream.linear.gather [hbm4b:s31+s2], $0xC8, $0x38;
	[tilespmem:$0x19400] =	vst v63  }
0x10d: {  	s11 =	rddreg [dreg:$0x5]  }
0x10e: {  	[tilespmem:s17], [sflag:$0x2] =	stream.linear.gather [hbm4b:s11+s2], $0xC8, $0x38;
	[tilespmem:$0x19400] =	vst v63  }
0x10f: {  	s31 =	rddreg [dreg:$0x6]  }
0x110: {  	[tilespmem:s14], [sflag:$0x3] =	stream.linear.gather [hbm4b:s31+s2], $0xC8, $0x38;
	[tilespmem:$0x19400] =	vst v63  }
0x111: {  	s11 =	rddreg [dreg:$0x7]  }
0x112: {  	[tilespmem:s21], [sflag:$0x4] =	stream.linear.gather [hbm4b:s11+s2], $0xC8, $0x38;
	[tilespmem:$0x19400] =	vst v63  }
0x113: {  	_ =	swait.ge [sflag:s20], $0xC8  }
0x114: {  	[sflag:s20] =	ssyncset.done $0x0  }
0x115: {  	[sflag:s20] =	ssyncadd.s32 $0xFFFFFF38  }
0x116: {  	[tilespmem:s9], [sflag:$0x5] =	stream.indirect.gather [hbm4b:s3+s15], $0x80, s2, s15, $0xb8;
	[tilespmem:$0x19400] =	vst v63  }
0x117: {  	_ =	swait.ge [sflag:s19], $0xC8  }
0x118: {  	[sflag:s19] =	ssyncset.done $0x0  }
0x119: {  	[sflag:s19] =	ssyncadd.s32 $0xFFFFFF38  }
0x11a: {  	[tilespmem:s5], [sflag:$0x6] =	stream.indirect.gather [hbm4b:s3+s15], $0x80, s17, s15, $0xb8;
	[tilespmem:$0x19400] =	vst v63  }
0x11b: {  	_ =	swait.ge [sflag:s16], $0xC8  }
0x11c: {  	[sflag:s16] =	ssyncset.done $0x0  }
0x11d: {  	[sflag:s16] =	ssyncadd.s32 $0xFFFFFF38  }
0x11e: {  	[tilespmem:s4], [sflag:$0x7] =	stream.indirect.gather [hbm4b:s3+s15], $0x80, s14, s15, $0xb8;
	[tilespmem:$0x19400] =	vst v63  }
0x11f: {  	_ =	swait.ge [sflag:s22], $0xC8  }
0x120: {  	[sflag:s22] =	ssyncset.done $0x0  }
0x121: {  	[sflag:s22] =	ssyncadd.s32 $0xFFFFFF38  }
0x122: {  	[tilespmem:s23], [sflag:$0x8] =	stream.indirect.gather [hbm4b:s3+s15], $0x80, s21, s15, $0xb8;
	[tilespmem:$0x19400] =	vst v63  }
0x123: {  	_ =	swait.ge [sflag:s13], $0x6400  }
0x124: {  	[sflag:s13] =	ssyncset.done $0x0  }
0x125: {  	s11 =	rddreg [dreg:$0x8];
	[sflag:s13] =	ssyncadd.s32 $0xFFFF9C00  }
0x126: {  	[tilespmem:s2], [sflag:$0x1] =	stream.linear.gather [hbm4b:s11+s2], $0xC8, $0x38;
	[tilespmem:$0x19400] =	vst v63  }
0x127: {  	s31 =	rddreg [dreg:$0x9]  }
0x128: {  	[hbm4b:s31+s2] =	stream.linear.scatter [tilespmem:s9], [sflag:$0x9], $0x6400, $0x38;
	[tilespmem:$0x19400] =	vst v63  }
0x129: {  	_ =	swait.ge [sflag:s12], $0x6400  }
0x12a: {  	[sflag:s12] =	ssyncset.done $0x0  }
0x12b: {  	[sflag:s12] =	ssyncadd.s32 $0xFFFF9C00  }
0x12c: {  	_ =	swait.ge [sflag:s20], $0xC8  }
0x12d: {  	[sflag:s20] =	ssyncset.done $0x0  }
0x12e: {  	[sflag:s20] =	ssyncadd.s32 $0xFFFFFF38  }
0x12f: {  	[tilespmem:s9], [sflag:$0x5] =	stream.indirect.gather [hbm4b:s3+s15], $0x80, s2, s15, $0xb8;
	[tilespmem:$0x19400] =	vst v63  }
0x130: {  	_ =	swait.ge [sflag:s10], $0x6400  }
0x131: {  	[sflag:s10] =	ssyncset.done $0x0  }
0x132: {  	s11 =	rddreg [dreg:$0xa];
	[sflag:s10] =	ssyncadd.s32 $0xFFFF9C00  }
0x133: {  	[tilespmem:s17], [sflag:$0x2] =	stream.linear.gather [hbm4b:s11+s2], $0xC8, $0x38;
	[tilespmem:$0x19400] =	vst v63  }
0x134: {  	s31 =	rddreg [dreg:$0xb]  }
0x135: {  	[hbm4b:s31+s2] =	stream.linear.scatter [tilespmem:s5], [sflag:$0xA], $0x6400, $0x38;
	[tilespmem:$0x19400] =	vst v63  }
0x136: {  	_ =	swait.ge [sflag:s8], $0x6400  }
0x137: {  	[sflag:s8] =	ssyncset.done $0x0  }
0x138: {  	[sflag:s8] =	ssyncadd.s32 $0xFFFF9C00  }
0x139: {  	_ =	swait.ge [sflag:s19], $0xC8  }
0x13a: {  	[sflag:s19] =	ssyncset.done $0x0  }
0x13b: {  	[sflag:s19] =	ssyncadd.s32 $0xFFFFFF38  }
0x13c: {  	[tilespmem:s5], [sflag:$0x6] =	stream.indirect.gather [hbm4b:s3+s15], $0x80, s17, s15, $0xb8;
	[tilespmem:$0x19400] =	vst v63  }
0x13d: {  	_ =	swait.ge [sflag:s7], $0x6400  }
0x13e: {  	[sflag:s7] =	ssyncset.done $0x0  }
0x13f: {  	s11 =	rddreg [dreg:$0xc];
	[sflag:s7] =	ssyncadd.s32 $0xFFFF9C00  }
0x140: {  	[tilespmem:s14], [sflag:$0x3] =	stream.linear.gather [hbm4b:s11+s2], $0xC8, $0x38;
	[tilespmem:$0x19400] =	vst v63  }
0x141: {  	s31 =	rddreg [dreg:$0xd]  }
0x142: {  	[hbm4b:s31+s2] =	stream.linear.scatter [tilespmem:s4], [sflag:$0xB], $0x6400, $0x38;
	[tilespmem:$0x19400] =	vst v63  }
0x143: {  	_ =	swait.ge [sflag:s6], $0x6400  }
0x144: {  	[sflag:s6] =	ssyncset.done $0x0  }
0x145: {  	[sflag:s6] =	ssyncadd.s32 $0xFFFF9C00  }
0x146: {  	_ =	swait.ge [sflag:s16], $0xC8  }
0x147: {  	[sflag:s16] =	ssyncset.done $0x0  }
0x148: {  	[sflag:s16] =	ssyncadd.s32 $0xFFFFFF38  }
0x149: {  	[tilespmem:s4], [sflag:$0x7] =	stream.indirect.gather [hbm4b:s3+s15], $0x80, s14, s15, $0xb8;
	[tilespmem:$0x19400] =	vst v63  }
0x14a: {  	_ =	swait.ge [sflag:s18], $0x6400  }
0x14b: {  	[sflag:s18] =	ssyncset.done $0x0  }
0x14c: {  	s11 =	rddreg [dreg:$0xe];
	[sflag:s18] =	ssyncadd.s32 $0xFFFF9C00  }
0x14d: {  	[tilespmem:s21], [sflag:$0x4] =	stream.linear.gather [hbm4b:s11+s2], $0xC8, $0x38;
	[tilespmem:$0x19400] =	vst v63  }
0x14e: {  	s31 =	rddreg [dreg:$0xf]  }
0x14f: {  	[hbm4b:s31+s2] =	stream.linear.scatter [tilespmem:s23], [sflag:$0xC], $0x6400, $0x38;
	[tilespmem:$0x19400] =	vst v63  }
0x150: {  	_ =	swait.ge [sflag:s24], $0x6400  }
0x151: {  	[sflag:s24] =	ssyncset.done $0x0  }
0x152: {  	[sflag:s24] =	ssyncadd.s32 $0xFFFF9C00  }
0x153: {  	_ =	swait.ge [sflag:s22], $0xC8  }
0x154: {  	[sflag:s22] =	ssyncset.done $0x0  }
0x155: {  	[sflag:s22] =	ssyncadd.s32 $0xFFFFFF38  }
0x156: {  	[tilespmem:s23], [sflag:$0x8] =	stream.indirect.gather [hbm4b:s3+s15], $0x80, s21, s15, $0xb8;
	[tilespmem:$0x19400] =	vst v63  }
0x157: {  	_ =	swait.ge [sflag:s13], $0x6400  }
0x158: {  	[sflag:s13] =	ssyncset.done $0x0  }
0x159: {  	s11 =	rddreg [dreg:$0x10];
	[sflag:s13] =	ssyncadd.s32 $0xFFFF9C00  }
0x15a: {  	[tilespmem:s2], [sflag:$0x1] =	stream.linear.gather [hbm4b:s11+s2], $0xC8, $0x38;
	[tilespmem:$0x19400] =	vst v63  }
0x15b: {  	s31 =	rddreg [dreg:$0x11]  }
0x15c: {  	[hbm4b:s31+s2] =	stream.linear.scatter [tilespmem:s9], [sflag:$0x9], $0x6400, $0x38;
	[tilespmem:$0x19400] =	vst v63  }
0x15d: {  	_ =	swait.ge [sflag:s12], $0x6400  }
0x15e: {  	[sflag:s12] =	ssyncset.done $0x0  }
0x15f: {  	[sflag:s12] =	ssyncadd.s32 $0xFFFF9C00  }
0x160: {  	_ =	swait.ge [sflag:s20], $0xC8  }
0x161: {  	[sflag:s20] =	ssyncset.done $0x0  }
0x162: {  	[sflag:s20] =	ssyncadd.s32 $0xFFFFFF38  }
0x163: {  	[tilespmem:s9], [sflag:$0x5] =	stream.indirect.gather [hbm4b:s3+s15], $0x80, s2, s15, $0xb8;
	[tilespmem:$0x19400] =	vst v63  }
0x164: {  	_ =	swait.ge [sflag:s10], $0x6400  }
0x165: {  	[sflag:s10] =	ssyncset.done $0x0  }
0x166: {  	s11 =	rddreg [dreg:$0x12];
	[sflag:s10] =	ssyncadd.s32 $0xFFFF9C00  }
0x167: {  	[tilespmem:s17], [sflag:$0x2] =	stream.linear.gather [hbm4b:s11+s2], $0xC8, $0x38;
	[tilespmem:$0x19400] =	vst v63  }
0x168: {  	s31 =	rddreg [dreg:$0x13]  }
0x169: {  	[hbm4b:s31+s2] =	stream.linear.scatter [tilespmem:s5], [sflag:$0xA], $0x6400, $0x38;
	[tilespmem:$0x19400] =	vst v63  }
0x16a: {  	_ =	swait.ge [sflag:s8], $0x6400  }
0x16b: {  	[sflag:s8] =	ssyncset.done $0x0  }
0x16c: {  	[sflag:s8] =	ssyncadd.s32 $0xFFFF9C00  }
0x16d: {  	_ =	swait.ge [sflag:s19], $0xC8  }
0x16e: {  	[sflag:s19] =	ssyncset.done $0x0  }
0x16f: {  	[sflag:s19] =	ssyncadd.s32 $0xFFFFFF38  }
0x170: {  	[tilespmem:s5], [sflag:$0x6] =	stream.indirect.gather [hbm4b:s3+s15], $0x80, s17, s15, $0xb8;
	[tilespmem:$0x19400] =	vst v63  }
0x171: {  	_ =	swait.ge [sflag:s7], $0x6400  }
0x172: {  	[sflag:s7] =	ssyncset.done $0x0  }
0x173: {  	s11 =	rddreg [dreg:$0x14];
	[sflag:s7] =	ssyncadd.s32 $0xFFFF9C00  }
0x174: {  	[tilespmem:s14], [sflag:$0x3] =	stream.linear.gather [hbm4b:s11+s2], $0xC8, $0x38;
	[tilespmem:$0x19400] =	vst v63  }
0x175: {  	s31 =	rddreg [dreg:$0x15]  }
0x176: {  	[hbm4b:s31+s2] =	stream.linear.scatter [tilespmem:s4], [sflag:$0xB], $0x6400, $0x38;
	[tilespmem:$0x19400] =	vst v63  }
0x177: {  	_ =	swait.ge [sflag:s6], $0x6400  }
0x178: {  	[sflag:s6] =	ssyncset.done $0x0  }
0x179: {  	[sflag:s6] =	ssyncadd.s32 $0xFFFF9C00  }
0x17a: {  	_ =	swait.ge [sflag:s16], $0xC8  }
0x17b: {  	[sflag:s16] =	ssyncset.done $0x0  }
0x17c: {  	[sflag:s16] =	ssyncadd.s32 $0xFFFFFF38  }
0x17d: {  	[tilespmem:s4], [sflag:$0x7] =	stream.indirect.gather [hbm4b:s3+s15], $0x80, s14, s15, $0xb8;
	[tilespmem:$0x19400] =	vst v63  }
0x17e: {  	_ =	swait.ge [sflag:s18], $0x6400  }
0x17f: {  	[sflag:s18] =	ssyncset.done $0x0  }
0x180: {  	s11 =	rddreg [dreg:$0x16];
	[sflag:s18] =	ssyncadd.s32 $0xFFFF9C00  }
0x181: {  	[tilespmem:s21], [sflag:$0x4] =	stream.linear.gather [hbm4b:s11+s2], $0xC8, $0x38;
	[tilespmem:$0x19400] =	vst v63  }
0x182: {  	s31 =	rddreg [dreg:$0x17]  }
0x183: {  	[hbm4b:s31+s2] =	stream.linear.scatter [tilespmem:s23], [sflag:$0xC], $0x6400, $0x38;
	[tilespmem:$0x19400] =	vst v63  }
0x184: {  	_ =	swait.ge [sflag:s24], $0x6400  }
0x185: {  	[sflag:s24] =	ssyncset.done $0x0  }
0x186: {  	[sflag:s24] =	ssyncadd.s32 $0xFFFF9C00  }
0x187: {  	_ =	swait.ge [sflag:s22], $0xC8  }
0x188: {  	[sflag:s22] =	ssyncset.done $0x0  }
0x189: {  	[sflag:s22] =	ssyncadd.s32 $0xFFFFFF38  }
0x18a: {  	[tilespmem:s23], [sflag:$0x8] =	stream.indirect.gather [hbm4b:s3+s15], $0x80, s21, s15, $0xb8;
	[tilespmem:$0x19400] =	vst v63  }
0x18b: {  	_ =	swait.ge [sflag:s13], $0x6400  }
0x18c: {  	[sflag:s13] =	ssyncset.done $0x0  }
0x18d: {  	s11 =	rddreg [dreg:$0x18];
	[sflag:s13] =	ssyncadd.s32 $0xFFFF9C00  }
0x18e: {  	[tilespmem:s2], [sflag:$0x1] =	stream.linear.gather [hbm4b:s11+s2], $0xC8, $0x38;
	[tilespmem:$0x19400] =	vst v63  }
0x18f: {  	s31 =	rddreg [dreg:$0x19]  }
0x190: {  	[hbm4b:s31+s2] =	stream.linear.scatter [tilespmem:s9], [sflag:$0x9], $0x6400, $0x38;
	[tilespmem:$0x19400] =	vst v63  }
0x191: {  	_ =	swait.ge [sflag:s12], $0x6400  }
0x192: {  	[sflag:s12] =	ssyncset.done $0x0  }
0x193: {  	[sflag:s12] =	ssyncadd.s32 $0xFFFF9C00  }
0x194: {  	_ =	swait.ge [sflag:s20], $0xC8  }
0x195: {  	[sflag:s20] =	ssyncset.done $0x0  }
0x196: {  	[sflag:s20] =	ssyncadd.s32 $0xFFFFFF38  }
0x197: {  	[tilespmem:s9], [sflag:$0x5] =	stream.indirect.gather [hbm4b:s3+s15], $0x80, s2, s15, $0xb8;
	[tilespmem:$0x19400] =	vst v63  }
0x198: {  	_ =	swait.ge [sflag:s10], $0x6400  }
0x199: {  	[sflag:s10] =	ssyncset.done $0x0  }
0x19a: {  	s11 =	rddreg [dreg:$0x1a];
	[sflag:s10] =	ssyncadd.s32 $0xFFFF9C00  }
0x19b: {  	[tilespmem:s17], [sflag:$0x2] =	stream.linear.gather [hbm4b:s11+s2], $0xC8, $0x38;
	[tilespmem:$0x19400] =	vst v63  }
0x19c: {  	s31 =	rddreg [dreg:$0x1b]  }
0x19d: {  	[hbm4b:s31+s2] =	stream.linear.scatter [tilespmem:s5], [sflag:$0xA], $0x6400, $0x38;
	[tilespmem:$0x19400] =	vst v63  }
0x19e: {  	_ =	swait.ge [sflag:s8], $0x6400  }
0x19f: {  	[sflag:s8] =	ssyncset.done $0x0  }
0x1a0: {  	[sflag:s8] =	ssyncadd.s32 $0xFFFF9C00  }
0x1a1: {  	_ =	swait.ge [sflag:s19], $0xC8  }
0x1a2: {  	[sflag:s19] =	ssyncset.done $0x0  }
0x1a3: {  	[sflag:s19] =	ssyncadd.s32 $0xFFFFFF38  }
0x1a4: {  	[tilespmem:s5], [sflag:$0x6] =	stream.indirect.gather [hbm4b:s3+s15], $0x80, s17, s15, $0xb8;
	[tilespmem:$0x19400] =	vst v63  }
0x1a5: {  	_ =	swait.ge [sflag:s7], $0x6400  }
0x1a6: {  	[sflag:s7] =	ssyncset.done $0x0  }
0x1a7: {  	s11 =	rddreg [dreg:$0x1c];
	[sflag:s7] =	ssyncadd.s32 $0xFFFF9C00  }
0x1a8: {  	[tilespmem:s14], [sflag:$0x3] =	stream.linear.gather [hbm4b:s11+s2], $0xC8, $0x38;
	[tilespmem:$0x19400] =	vst v63  }
0x1a9: {  	s31 =	rddreg [dreg:$0x1d]  }
0x1aa: {  	[hbm4b:s31+s2] =	stream.linear.scatter [tilespmem:s4], [sflag:$0xB], $0x6400, $0x38;
	[tilespmem:$0x19400] =	vst v63  }
0x1ab: {  	_ =	swait.ge [sflag:s6], $0x6400  }
0x1ac: {  	[sflag:s6] =	ssyncset.done $0x0  }
0x1ad: {  	[sflag:s6] =	ssyncadd.s32 $0xFFFF9C00  }
0x1ae: {  	_ =	swait.ge [sflag:s16], $0xC8  }
0x1af: {  	[sflag:s16] =	ssyncset.done $0x0  }
0x1b0: {  	[sflag:s16] =	ssyncadd.s32 $0xFFFFFF38  }
0x1b1: {  	[tilespmem:s4], [sflag:$0x7] =	stream.indirect.gather [hbm4b:s3+s15], $0x80, s14, s15, $0xb8;
	[tilespmem:$0x19400] =	vst v63  }
0x1b2: {  	_ =	swait.ge [sflag:s18], $0x6400  }
0x1b3: {  	[sflag:s18] =	ssyncset.done $0x0  }
0x1b4: {  	s11 =	simm.s32 @p0 $0x0;
	s31 =	simm.s32 @p0 $0x13000;
	[sflag:s18] =	ssyncadd.s32 $0xFFFF9C00  }
0x1b5: {  	[hbm4b:s25+s11] =	stream.linear.scatter @p0 [tilespmem:s31], [sflag:$0xC], $0x6400, $0x38;
	[tilespmem:$0x19400] =	vst v63  }
0x1b6: {  	s31 =	simm.s32 @p0 $0xC  }
0x1b7: {  	_ =	swait.ge @p0 [sflag:s31], $0x6400  }
0x1b8: {  	[sflag:s31] =	ssyncset.done @p0 $0x0  }
0x1b9: {  	s11 =	rddreg [dreg:$0x1e];
	[sflag:s31] =	ssyncadd.s32 @p0 $0xFFFF9C00;
	s31 =	simm.s32 @!p0 $0x300  }
0x1ba: {  	[tilespmem:s31], [sflag:$0x4] =	stream.linear.gather @!p0 [hbm4b:s11+s30], $0xC8, $0x38;
	[tilespmem:$0x19400] =	vst v63  }
0x1bb: {  	_ = 	snop  }
0x1bc: {  	[hbm4b:s25+s30] =	stream.linear.scatter @!p0 [tilespmem:s1], [sflag:$0xC], $0x6400, $0x38;
	[tilespmem:$0x19400] =	vst v63  }
0x1bd: {  	_ =	swait.ge @!p0 [sflag:s29], $0x6400  }
0x1be: {  	[sflag:s29] =	ssyncset.done @!p0 $0x0  }
0x1bf: {  	[sflag:s29] =	ssyncadd.s32 @!p0 $0xFFFF9C00  }
0x1c0: {  	_ =	swait.ge @!p0 [sflag:s0], $0xC8  }
0x1c1: {  	[sflag:s0] =	ssyncset.done @!p0 $0x0  }
0x1c2: {  	s11 =	simm.s32 @!p0 $0xC8;
	[sflag:s0] =	ssyncadd.s32 @!p0 $0xFFFFFF38  }
0x1c3: {  	[tilespmem:s1], [sflag:$0x8] =	stream.indirect.gather @!p0 [hbm4b:s3+s11], $0x80, s31, s11, $0xb8;
	[tilespmem:$0x19400] =	vst v63  }
0x1c4: {  	_ =	swait.ge [sflag:s13], $0x6400  }
0x1c5: {  	[sflag:s13] =	ssyncset.done $0x0  }
0x1c6: {  	s11 =	rddreg [dreg:$0x1f];
	[sflag:s13] =	ssyncadd.s32 $0xFFFF9C00  }
0x1c7: {  	[hbm4b:s11+s2] =	stream.linear.scatter [tilespmem:s9], [sflag:$0x9], $0x6400, $0x38;
	[tilespmem:$0x19400] =	vst v63  }
0x1c8: {  	_ =	swait.ge [sflag:s12], $0x6400  }
0x1c9: {  	[sflag:s12] =	ssyncset.done $0x0  }
0x1ca: {  	[sflag:s12] =	ssyncadd.s32 $0xFFFF9C00  }
0x1cb: {  	_ =	swait.ge [sflag:s10], $0x6400  }
0x1cc: {  	s11 =	sld [smem:$0x7FB]  }
0x1cd: {  	[sflag:s10] =	ssyncset.done $0x0  }
0x1ce: {  	[sflag:s10] =	ssyncadd.s32 $0xFFFF9C00  }
0x1cf: {  	[hbm4b:s11+s2] =	stream.linear.scatter [tilespmem:s5], [sflag:$0xA], $0x6400, $0x38;
	[tilespmem:$0x19400] =	vst v63  }
0x1d0: {  	_ =	swait.ge [sflag:s8], $0x6400  }
0x1d1: {  	[sflag:s8] =	ssyncset.done $0x0  }
0x1d2: {  	[sflag:s8] =	ssyncadd.s32 $0xFFFF9C00  }
0x1d3: {  	_ =	swait.ge [sflag:s7], $0x6400  }
0x1d4: {  	s11 =	sld [smem:$0x7FC]  }
0x1d5: {  	[sflag:s7] =	ssyncset.done $0x0  }
0x1d6: {  	[sflag:s7] =	ssyncadd.s32 $0xFFFF9C00  }
0x1d7: {  	[hbm4b:s11+s2] =	stream.linear.scatter [tilespmem:s4], [sflag:$0xB], $0x6400, $0x38;
	[tilespmem:$0x19400] =	vst v63  }
0x1d8: {  	_ =	swait.ge [sflag:s6], $0x6400  }
0x1d9: {  	[sflag:s6] =	ssyncset.done $0x0  }
0x1da: {  	[sflag:s6] =	ssyncadd.s32 $0xFFFF9C00  }
0x1db: {  	s26 =	sadd.s32 $0xFFFFFFFF, s26;
	_ =	swait.ge @!p0 [sflag:s28], $0x6400  }
0x1dc: {  	p2 =	sne.s32 s26, $0x0;
	s11 =	sld [smem:$0x7FD]  }
.Ltmp2:
0x1dd: {  	[sflag:s28] =	ssyncset.done @!p0 $0x0;
	(pc) =	sbr.rel @p2 .LBB2_4-.Ltmp2, $4  }
0x1de: {  	[sflag:s28] =	ssyncadd.s32 @!p0 $0xFFFF9C00  }
0x1df: {  	[hbm4b:s11+s30] =	stream.linear.scatter @!p0 [tilespmem:s1], [sflag:$0xC], $0x6400, $0x38;
	[tilespmem:$0x19400] =	vst v63  }
0x1e0: {  	_ =	swait.ge @!p0 [sflag:s29], $0x6400  }
0x1e1: {  	s31 =	rddreg [dreg:$0x4];
	[sflag:s29] =	ssyncset.done @!p0 $0x0  }
0x1e2: {  	s26 =	smov.u32 s25;
	s25 =	stileid.u32;
	s28 =	rddreg [dreg:$0x3]  }
.LBB2_6:
0x1e3: {  	p1 =	por p0, !p1  }
0x1e4: {  	[sflag:s29] =	ssyncadd.s32 @!p1 $0xFFFF9C00  }
0x1e5: {  	[tilespmem:s2], [sflag:$0x1] =	stream.linear.gather [hbm4b:s31+s2], $0xC8, $0x38;
	[tilespmem:$0x19400] =	vst v63  }
0x1e6: {  	s0 =	rddreg [dreg:$0x5]  }
0x1e7: {  	[tilespmem:s17], [sflag:$0x2] =	stream.linear.gather [hbm4b:s0+s2], $0xC8, $0x38;
	[tilespmem:$0x19400] =	vst v63  }
0x1e8: {  	s1 =	rddreg [dreg:$0x6]  }
0x1e9: {  	[tilespmem:s14], [sflag:$0x3] =	stream.linear.gather [hbm4b:s1+s2], $0xC8, $0x38;
	[tilespmem:$0x19400] =	vst v63  }
0x1ea: {  	s31 =	rddreg [dreg:$0x7]  }
0x1eb: {  	[tilespmem:s21], [sflag:$0x4] =	stream.linear.gather [hbm4b:s31+s2], $0xC8, $0x38;
	[tilespmem:$0x19400] =	vst v63  }
0x1ec: {  	_ =	swait.ge [sflag:s20], $0xC8  }
0x1ed: {  	[sflag:s20] =	ssyncset.done $0x0  }
0x1ee: {  	[sflag:s20] =	ssyncadd.s32 $0xFFFFFF38  }
0x1ef: {  	[tilespmem:s9], [sflag:$0x5] =	stream.indirect.gather [hbm4b:s3+s15], $0x80, s2, s15, $0xb8;
	[tilespmem:$0x19400] =	vst v63  }
0x1f0: {  	_ =	swait.ge [sflag:s19], $0xC8  }
0x1f1: {  	[sflag:s19] =	ssyncset.done $0x0  }
0x1f2: {  	[sflag:s19] =	ssyncadd.s32 $0xFFFFFF38  }
0x1f3: {  	[tilespmem:s5], [sflag:$0x6] =	stream.indirect.gather [hbm4b:s3+s15], $0x80, s17, s15, $0xb8;
	[tilespmem:$0x19400] =	vst v63  }
0x1f4: {  	_ =	swait.ge [sflag:s16], $0xC8  }
0x1f5: {  	[sflag:s16] =	ssyncset.done $0x0  }
0x1f6: {  	[sflag:s16] =	ssyncadd.s32 $0xFFFFFF38  }
0x1f7: {  	[tilespmem:s4], [sflag:$0x7] =	stream.indirect.gather [hbm4b:s3+s15], $0x80, s14, s15, $0xb8;
	[tilespmem:$0x19400] =	vst v63  }
0x1f8: {  	_ =	swait.ge [sflag:s22], $0xC8  }
0x1f9: {  	[sflag:s22] =	ssyncset.done $0x0  }
0x1fa: {  	[sflag:s22] =	ssyncadd.s32 $0xFFFFFF38  }
0x1fb: {  	[tilespmem:s23], [sflag:$0x8] =	stream.indirect.gather [hbm4b:s3+s15], $0x80, s21, s15, $0xb8;
	[tilespmem:$0x19400] =	vst v63  }
0x1fc: {  	_ =	swait.ge [sflag:s13], $0x6400  }
0x1fd: {  	[sflag:s13] =	ssyncset.done $0x0  }
0x1fe: {  	s11 =	rddreg [dreg:$0x8];
	[sflag:s13] =	ssyncadd.s32 $0xFFFF9C00  }
0x1ff: {  	[tilespmem:s2], [sflag:$0x1] =	stream.linear.gather [hbm4b:s11+s2], $0xC8, $0x38;
	[tilespmem:$0x19400] =	vst v63  }
0x200: {  	s29 =	rddreg [dreg:$0x9]  }
0x201: {  	[hbm4b:s29+s2] =	stream.linear.scatter [tilespmem:s9], [sflag:$0x9], $0x6400, $0x38;
	[tilespmem:$0x19400] =	vst v63  }
0x202: {  	_ =	swait.ge [sflag:s12], $0x6400  }
0x203: {  	[sflag:s12] =	ssyncset.done $0x0  }
0x204: {  	[sflag:s12] =	ssyncadd.s32 $0xFFFF9C00  }
0x205: {  	_ =	swait.ge [sflag:s20], $0xC8  }
0x206: {  	[sflag:s20] =	ssyncset.done $0x0  }
0x207: {  	[sflag:s20] =	ssyncadd.s32 $0xFFFFFF38  }
0x208: {  	[tilespmem:s9], [sflag:$0x5] =	stream.indirect.gather [hbm4b:s3+s15], $0x80, s2, s15, $0xb8;
	[tilespmem:$0x19400] =	vst v63  }
0x209: {  	_ =	swait.ge [sflag:s10], $0x6400  }
0x20a: {  	[sflag:s10] =	ssyncset.done $0x0  }
0x20b: {  	s30 =	rddreg [dreg:$0xa];
	[sflag:s10] =	ssyncadd.s32 $0xFFFF9C00  }
0x20c: {  	[tilespmem:s17], [sflag:$0x2] =	stream.linear.gather [hbm4b:s30+s2], $0xC8, $0x38;
	[tilespmem:$0x19400] =	vst v63  }
0x20d: {  	s31 =	rddreg [dreg:$0xb]  }
0x20e: {  	[hbm4b:s31+s2] =	stream.linear.scatter [tilespmem:s5], [sflag:$0xA], $0x6400, $0x38;
	[tilespmem:$0x19400] =	vst v63  }
0x20f: {  	_ =	swait.ge [sflag:s8], $0x6400  }
0x210: {  	[sflag:s8] =	ssyncset.done $0x0  }
0x211: {  	[sflag:s8] =	ssyncadd.s32 $0xFFFF9C00  }
0x212: {  	_ =	swait.ge [sflag:s19], $0xC8  }
0x213: {  	[sflag:s19] =	ssyncset.done $0x0  }
0x214: {  	[sflag:s19] =	ssyncadd.s32 $0xFFFFFF38  }
0x215: {  	[tilespmem:s5], [sflag:$0x6] =	stream.indirect.gather [hbm4b:s3+s15], $0x80, s17, s15, $0xb8;
	[tilespmem:$0x19400] =	vst v63  }
0x216: {  	_ =	swait.ge [sflag:s7], $0x6400  }
0x217: {  	[sflag:s7] =	ssyncset.done $0x0  }
0x218: {  	s11 =	rddreg [dreg:$0xc];
	[sflag:s7] =	ssyncadd.s32 $0xFFFF9C00  }
0x219: {  	[tilespmem:s14], [sflag:$0x3] =	stream.linear.gather [hbm4b:s11+s2], $0xC8, $0x38;
	[tilespmem:$0x19400] =	vst v63  }
0x21a: {  	s29 =	rddreg [dreg:$0xd]  }
0x21b: {  	[hbm4b:s29+s2] =	stream.linear.scatter [tilespmem:s4], [sflag:$0xB], $0x6400, $0x38;
	[tilespmem:$0x19400] =	vst v63  }
0x21c: {  	_ =	swait.ge [sflag:s6], $0x6400  }
0x21d: {  	[sflag:s6] =	ssyncset.done $0x0  }
0x21e: {  	[sflag:s6] =	ssyncadd.s32 $0xFFFF9C00  }
0x21f: {  	_ =	swait.ge [sflag:s16], $0xC8  }
0x220: {  	[sflag:s16] =	ssyncset.done $0x0  }
0x221: {  	[sflag:s16] =	ssyncadd.s32 $0xFFFFFF38  }
0x222: {  	[tilespmem:s4], [sflag:$0x7] =	stream.indirect.gather [hbm4b:s3+s15], $0x80, s14, s15, $0xb8;
	[tilespmem:$0x19400] =	vst v63  }
0x223: {  	_ =	swait.ge [sflag:s18], $0x6400  }
0x224: {  	[sflag:s18] =	ssyncset.done $0x0  }
0x225: {  	s30 =	rddreg [dreg:$0xe];
	[sflag:s18] =	ssyncadd.s32 $0xFFFF9C00  }
0x226: {  	[tilespmem:s21], [sflag:$0x4] =	stream.linear.gather [hbm4b:s30+s2], $0xC8, $0x38;
	[tilespmem:$0x19400] =	vst v63  }
0x227: {  	s31 =	rddreg [dreg:$0xf]  }
0x228: {  	[hbm4b:s31+s2] =	stream.linear.scatter [tilespmem:s23], [sflag:$0xC], $0x6400, $0x38;
	[tilespmem:$0x19400] =	vst v63  }
0x229: {  	_ =	swait.ge [sflag:s24], $0x6400  }
0x22a: {  	[sflag:s24] =	ssyncset.done $0x0  }
0x22b: {  	[sflag:s24] =	ssyncadd.s32 $0xFFFF9C00  }
0x22c: {  	_ =	swait.ge [sflag:s22], $0xC8  }
0x22d: {  	[sflag:s22] =	ssyncset.done $0x0  }
0x22e: {  	[sflag:s22] =	ssyncadd.s32 $0xFFFFFF38  }
0x22f: {  	[tilespmem:s23], [sflag:$0x8] =	stream.indirect.gather [hbm4b:s3+s15], $0x80, s21, s15, $0xb8;
	[tilespmem:$0x19400] =	vst v63  }
0x230: {  	_ =	swait.ge [sflag:s13], $0x6400  }
0x231: {  	[sflag:s13] =	ssyncset.done $0x0  }
0x232: {  	s11 =	rddreg [dreg:$0x10];
	[sflag:s13] =	ssyncadd.s32 $0xFFFF9C00  }
0x233: {  	[tilespmem:s2], [sflag:$0x1] =	stream.linear.gather [hbm4b:s11+s2], $0xC8, $0x38;
	[tilespmem:$0x19400] =	vst v63  }
0x234: {  	s29 =	rddreg [dreg:$0x11]  }
0x235: {  	[hbm4b:s29+s2] =	stream.linear.scatter [tilespmem:s9], [sflag:$0x9], $0x6400, $0x38;
	[tilespmem:$0x19400] =	vst v63  }
0x236: {  	_ =	swait.ge [sflag:s12], $0x6400  }
0x237: {  	[sflag:s12] =	ssyncset.done $0x0  }
0x238: {  	[sflag:s12] =	ssyncadd.s32 $0xFFFF9C00  }
0x239: {  	_ =	swait.ge [sflag:s20], $0xC8  }
0x23a: {  	[sflag:s20] =	ssyncset.done $0x0  }
0x23b: {  	[sflag:s20] =	ssyncadd.s32 $0xFFFFFF38  }
0x23c: {  	[tilespmem:s9], [sflag:$0x5] =	stream.indirect.gather [hbm4b:s3+s15], $0x80, s2, s15, $0xb8;
	[tilespmem:$0x19400] =	vst v63  }
0x23d: {  	_ =	swait.ge [sflag:s10], $0x6400  }
0x23e: {  	[sflag:s10] =	ssyncset.done $0x0  }
0x23f: {  	s30 =	rddreg [dreg:$0x12];
	[sflag:s10] =	ssyncadd.s32 $0xFFFF9C00  }
0x240: {  	[tilespmem:s17], [sflag:$0x2] =	stream.linear.gather [hbm4b:s30+s2], $0xC8, $0x38;
	[tilespmem:$0x19400] =	vst v63  }
0x241: {  	s31 =	rddreg [dreg:$0x13]  }
0x242: {  	[hbm4b:s31+s2] =	stream.linear.scatter [tilespmem:s5], [sflag:$0xA], $0x6400, $0x38;
	[tilespmem:$0x19400] =	vst v63  }
0x243: {  	_ =	swait.ge [sflag:s8], $0x6400  }
0x244: {  	[sflag:s8] =	ssyncset.done $0x0  }
0x245: {  	[sflag:s8] =	ssyncadd.s32 $0xFFFF9C00  }
0x246: {  	_ =	swait.ge [sflag:s19], $0xC8  }
0x247: {  	[sflag:s19] =	ssyncset.done $0x0  }
0x248: {  	[sflag:s19] =	ssyncadd.s32 $0xFFFFFF38  }
0x249: {  	[tilespmem:s5], [sflag:$0x6] =	stream.indirect.gather [hbm4b:s3+s15], $0x80, s17, s15, $0xb8;
	[tilespmem:$0x19400] =	vst v63  }
0x24a: {  	_ =	swait.ge [sflag:s7], $0x6400  }
0x24b: {  	[sflag:s7] =	ssyncset.done $0x0  }
0x24c: {  	s11 =	rddreg [dreg:$0x14];
	[sflag:s7] =	ssyncadd.s32 $0xFFFF9C00  }
0x24d: {  	[tilespmem:s14], [sflag:$0x3] =	stream.linear.gather [hbm4b:s11+s2], $0xC8, $0x38;
	[tilespmem:$0x19400] =	vst v63  }
0x24e: {  	s29 =	rddreg [dreg:$0x15]  }
0x24f: {  	[hbm4b:s29+s2] =	stream.linear.scatter [tilespmem:s4], [sflag:$0xB], $0x6400, $0x38;
	[tilespmem:$0x19400] =	vst v63  }
0x250: {  	_ =	swait.ge [sflag:s6], $0x6400  }
0x251: {  	[sflag:s6] =	ssyncset.done $0x0  }
0x252: {  	[sflag:s6] =	ssyncadd.s32 $0xFFFF9C00  }
0x253: {  	_ =	swait.ge [sflag:s16], $0xC8  }
0x254: {  	[sflag:s16] =	ssyncset.done $0x0  }
0x255: {  	[sflag:s16] =	ssyncadd.s32 $0xFFFFFF38  }
0x256: {  	[tilespmem:s4], [sflag:$0x7] =	stream.indirect.gather [hbm4b:s3+s15], $0x80, s14, s15, $0xb8;
	[tilespmem:$0x19400] =	vst v63  }
0x257: {  	_ =	swait.ge [sflag:s18], $0x6400  }
0x258: {  	[sflag:s18] =	ssyncset.done $0x0  }
0x259: {  	s30 =	rddreg [dreg:$0x16];
	[sflag:s18] =	ssyncadd.s32 $0xFFFF9C00  }
0x25a: {  	[tilespmem:s21], [sflag:$0x4] =	stream.linear.gather [hbm4b:s30+s2], $0xC8, $0x38;
	[tilespmem:$0x19400] =	vst v63  }
0x25b: {  	s31 =	rddreg [dreg:$0x17]  }
0x25c: {  	[hbm4b:s31+s2] =	stream.linear.scatter [tilespmem:s23], [sflag:$0xC], $0x6400, $0x38;
	[tilespmem:$0x19400] =	vst v63  }
0x25d: {  	_ =	swait.ge [sflag:s24], $0x6400  }
0x25e: {  	[sflag:s24] =	ssyncset.done $0x0  }
0x25f: {  	[sflag:s24] =	ssyncadd.s32 $0xFFFF9C00  }
0x260: {  	_ =	swait.ge [sflag:s22], $0xC8  }
0x261: {  	[sflag:s22] =	ssyncset.done $0x0  }
0x262: {  	[sflag:s22] =	ssyncadd.s32 $0xFFFFFF38  }
0x263: {  	[tilespmem:s23], [sflag:$0x8] =	stream.indirect.gather [hbm4b:s3+s15], $0x80, s21, s15, $0xb8;
	[tilespmem:$0x19400] =	vst v63  }
0x264: {  	_ =	swait.ge [sflag:s13], $0x6400  }
0x265: {  	[sflag:s13] =	ssyncset.done $0x0  }
0x266: {  	s1 =	rddreg [dreg:$0x18];
	[sflag:s13] =	ssyncadd.s32 $0xFFFF9C00  }
0x267: {  	[tilespmem:s2], [sflag:$0x1] =	stream.linear.gather [hbm4b:s1+s2], $0xC8, $0x38;
	[tilespmem:$0x19400] =	vst v63  }
0x268: {  	s11 =	rddreg [dreg:$0x19]  }
0x269: {  	[hbm4b:s11+s2] =	stream.linear.scatter [tilespmem:s9], [sflag:$0x9], $0x6400, $0x38;
	[tilespmem:$0x19400] =	vst v63  }
0x26a: {  	_ =	swait.ge [sflag:s12], $0x6400  }
0x26b: {  	[sflag:s12] =	ssyncset.done $0x0  }
0x26c: {  	[sflag:s12] =	ssyncadd.s32 $0xFFFF9C00  }
0x26d: {  	_ =	swait.ge [sflag:s20], $0xC8  }
0x26e: {  	[sflag:s20] =	ssyncset.done $0x0  }
0x26f: {  	[sflag:s20] =	ssyncadd.s32 $0xFFFFFF38  }
0x270: {  	[tilespmem:s9], [sflag:$0x5] =	stream.indirect.gather [hbm4b:s3+s15], $0x80, s2, s15, $0xb8;
	[tilespmem:$0x19400] =	vst v63  }
0x271: {  	_ =	swait.ge [sflag:s10], $0x6400  }
0x272: {  	[sflag:s10] =	ssyncset.done $0x0  }
0x273: {  	s21 =	rddreg [dreg:$0x1a];
	[sflag:s10] =	ssyncadd.s32 $0xFFFF9C00  }
0x274: {  	[tilespmem:s17], [sflag:$0x2] =	stream.linear.gather [hbm4b:s21+s2], $0xC8, $0x38;
	[tilespmem:$0x19400] =	vst v63  }
0x275: {  	s22 =	rddreg [dreg:$0x1b]  }
0x276: {  	[hbm4b:s22+s2] =	stream.linear.scatter [tilespmem:s5], [sflag:$0xA], $0x6400, $0x38;
	[tilespmem:$0x19400] =	vst v63  }
0x277: {  	_ =	swait.ge [sflag:s8], $0x6400  }
0x278: {  	[sflag:s8] =	ssyncset.done $0x0  }
0x279: {  	[sflag:s8] =	ssyncadd.s32 $0xFFFF9C00  }
0x27a: {  	_ =	swait.ge [sflag:s19], $0xC8  }
0x27b: {  	[sflag:s19] =	ssyncset.done $0x0  }
0x27c: {  	[sflag:s19] =	ssyncadd.s32 $0xFFFFFF38  }
0x27d: {  	[tilespmem:s5], [sflag:$0x6] =	stream.indirect.gather [hbm4b:s3+s15], $0x80, s17, s15, $0xb8;
	[tilespmem:$0x19400] =	vst v63  }
0x27e: {  	_ =	swait.ge [sflag:s7], $0x6400  }
0x27f: {  	[sflag:s7] =	ssyncset.done $0x0  }
0x280: {  	s23 =	rddreg [dreg:$0x1c];
	[sflag:s7] =	ssyncadd.s32 $0xFFFF9C00  }
0x281: {  	[tilespmem:s14], [sflag:$0x3] =	stream.linear.gather [hbm4b:s23+s2], $0xC8, $0x38;
	[tilespmem:$0x19400] =	vst v63  }
0x282: {  	s24 =	rddreg [dreg:$0x1d]  }
0x283: {  	[hbm4b:s24+s2] =	stream.linear.scatter [tilespmem:s4], [sflag:$0xB], $0x6400, $0x38;
	[tilespmem:$0x19400] =	vst v63  }
0x284: {  	_ =	swait.ge [sflag:s6], $0x6400  }
0x285: {  	[sflag:s6] =	ssyncset.done $0x0  }
0x286: {  	[sflag:s6] =	ssyncadd.s32 $0xFFFF9C00  }
0x287: {  	_ =	swait.ge [sflag:s16], $0xC8  }
0x288: {  	[sflag:s16] =	ssyncset.done $0x0  }
0x289: {  	[sflag:s16] =	ssyncadd.s32 $0xFFFFFF38  }
0x28a: {  	[tilespmem:s4], [sflag:$0x7] =	stream.indirect.gather [hbm4b:s3+s15], $0x80, s14, s15, $0xb8;
	[tilespmem:$0x19400] =	vst v63  }
0x28b: {  	_ =	swait.ge [sflag:s18], $0x6400  }
0x28c: {  	s0 =	simm.s32 @p0 $0xC;
	[sflag:s18] =	ssyncset.done $0x0  }
0x28d: {  	s1 =	simm.s32 @p0 $0x0;
	s11 =	simm.s32 @p0 $0x13000;
	[sflag:s18] =	ssyncadd.s32 $0xFFFF9C00  }
0x28e: {  	[hbm4b:s26+s1] =	stream.linear.scatter @p0 [tilespmem:s11], [sflag:$0xC], $0x6400, $0x38;
	[tilespmem:$0x19400] =	vst v63  }
0x28f: {  	_ =	swait.ge @p0 [sflag:s0], $0x6400  }
0x290: {  	s11 =	simm.s32 @!p0 $0x300;
	[sflag:s0] =	ssyncset.done @p0 $0x0  }
0x291: {  	s1 =	rddreg [dreg:$0x1e];
	[sflag:s0] =	ssyncadd.s32 @p0 $0xFFFF9C00;
	s0 =	simm.s32 @!p0 $0x0  }
0x292: {  	[tilespmem:s11], [sflag:$0x4] =	stream.linear.gather @!p0 [hbm4b:s1+s0], $0xC8, $0x38;
	[tilespmem:$0x19400] =	vst v63  }
0x293: {  	s14 =	simm.s32 @!p0 $0xC;
	s1 =	simm.s32 @!p0 $0x13000  }
0x294: {  	[hbm4b:s26+s0] =	stream.linear.scatter @!p0 [tilespmem:s1], [sflag:$0xC], $0x6400, $0x38;
	[tilespmem:$0x19400] =	vst v63  }
0x295: {  	_ =	swait.ge @!p0 [sflag:s14], $0x6400  }
0x296: {  	[sflag:s14] =	ssyncset.done @!p0 $0x0  }
0x297: {  	s15 =	simm.s32 @!p0 $0x4;
	[sflag:s14] =	ssyncadd.s32 @!p0 $0xFFFF9C00  }
0x298: {  	_ =	swait.ge @!p0 [sflag:s15], $0xC8  }
0x299: {  	[sflag:s15] =	ssyncset.done @!p0 $0x0  }
0x29a: {  	[sflag:s15] =	ssyncadd.s32 @!p0 $0xFFFFFF38;
	s15 =	simm.s32 @!p0 $0xC8  }
0x29b: {  	[tilespmem:s1], [sflag:$0x8] =	stream.indirect.gather @!p0 [hbm4b:s3+s15], $0x80, s11, s15, $0xb8;
	[tilespmem:$0x19400] =	vst v63  }
0x29c: {  	_ =	swait.ge [sflag:s13], $0x6400  }
0x29d: {  	[sflag:s13] =	ssyncset.done $0x0  }
0x29e: {  	s29 =	rddreg [dreg:$0x1f];
	[sflag:s13] =	ssyncadd.s32 $0xFFFF9C00  }
0x29f: {  	[hbm4b:s29+s2] =	stream.linear.scatter [tilespmem:s9], [sflag:$0x9], $0x6400, $0x38;
	[tilespmem:$0x19400] =	vst v63  }
0x2a0: {  	_ =	swait.ge [sflag:s12], $0x6400  }
0x2a1: {  	[sflag:s12] =	ssyncset.done $0x0  }
0x2a2: {  	[sflag:s12] =	ssyncadd.s32 $0xFFFF9C00  }
0x2a3: {  	_ =	swait.ge [sflag:s10], $0x6400  }
0x2a4: {  	s30 =	sld [smem:$0x7FB]  }
0x2a5: {  	[sflag:s10] =	ssyncset.done $0x0  }
0x2a6: {  	[sflag:s10] =	ssyncadd.s32 $0xFFFF9C00  }
0x2a7: {  	[hbm4b:s30+s2] =	stream.linear.scatter [tilespmem:s5], [sflag:$0xA], $0x6400, $0x38;
	[tilespmem:$0x19400] =	vst v63  }
0x2a8: {  	_ =	swait.ge [sflag:s8], $0x6400  }
0x2a9: {  	[sflag:s8] =	ssyncset.done $0x0  }
0x2aa: {  	[sflag:s8] =	ssyncadd.s32 $0xFFFF9C00  }
0x2ab: {  	_ =	swait.ge [sflag:s7], $0x6400  }
0x2ac: {  	s31 =	sld [smem:$0x7FC]  }
0x2ad: {  	[sflag:s7] =	ssyncset.done $0x0  }
0x2ae: {  	[sflag:s7] =	ssyncadd.s32 $0xFFFF9C00  }
0x2af: {  	[hbm4b:s31+s2] =	stream.linear.scatter [tilespmem:s4], [sflag:$0xB], $0x6400, $0x38;
	[tilespmem:$0x19400] =	vst v63  }
0x2b0: {  	_ =	swait.ge [sflag:s6], $0x6400  }
0x2b1: {  	[sflag:s6] =	ssyncset.done $0x0  }
0x2b2: {  	s2 =	simm.s32 @!p0 $0x8;
	[sflag:s6] =	ssyncadd.s32 $0xFFFF9C00  }
0x2b3: {  	_ =	swait.ge @!p0 [sflag:s2], $0x6400  }
0x2b4: {  	s3 =	sld [smem:$0x7FD]  }
0x2b5: {  	[sflag:s2] =	ssyncset.done @!p0 $0x0  }
0x2b6: {  	[sflag:s2] =	ssyncadd.s32 @!p0 $0xFFFF9C00  }
0x2b7: {  	[hbm4b:s3+s0] =	stream.linear.scatter @!p0 [tilespmem:s1], [sflag:$0xC], $0x6400, $0x38;
	[tilespmem:$0x19400] =	vst v63  }
0x2b8: {  	_ =	swait.ge @!p0 [sflag:s14], $0x6400  }
0x2b9: {  	[sflag:s14] =	ssyncset.done @!p0 $0x0  }
0x2ba: {  	[sflag:s14] =	ssyncadd.s32 @!p0 $0xFFFF9C00  }
0x2bb: {  	_ =	sfence.sel $0x180000  }
0x2bc: {  	[bflag:$0x0] =	sbarrier.arrive $0xFFFF  }
0x2bd: {  	p0 =	sne.s32 s25, $0x0;
	_ =	strace $0x90000047  }
0x2be: {  	s0 =	sadd.s32 @!p0 $0x100000, s28;
	[bflag:$0x2] =	sbarrier.arrive $0xFFFF  }
0x2bf: {  	[sflag:s0] =	ssyncadd.tile.s32 @!p0 $0x1;
	_ =	shalt  }
.LBB2_1:
.Ltmp3:
0x2c0: {  	(pc) =	sbr.rel .LBB2_6-.Ltmp3, $2  }
0x2c1: {  	_ =	sdelay $0x2  }
0x2c2: {  	s26 =	smov.u32 s11  }
.LBB2_3:
.Ltmp4:
0x2c3: {  	(pc) =	sbr.rel .LBB2_6-.Ltmp4, $2  }
0x2c4: {  	_ =	sdelay $0x2  }
0x2c5: {  	s26 =	smov.u32 s25;
	s25 =	stileid.u32;
	s28 =	rddreg [dreg:$0x3]  }
.Lfunc_end2:
_tile_overlayer_lowered:
.L_overlay_start_2:
0x2c6: {  	(tag) =	ssettag $0x2  }
0x2c7: {  	s0 =	rddreg [dreg:$0x0];
	s2 =	stileid.u32  }
0x2c8: {  	s1 =	rddreg [dreg:$0x1];
	p0 =	sne.s32 s2, $0x0  }
0x2c9: {  	s3 =	rddreg [dreg:$0x2];
	[bflag:$0x3] =	sbarrier.arrive $0xFFFF;
	s2 =	simm.s32 @!p0 $0x1C0D  }
0x2ca: {  	[timem:s3], [sflag:s2] =	dma.local @!p0 [hbm:s0], s1  }
0x2cb: {  	s0 =	simm.s32 @!p0 $0xD  }
0x2cc: {  	_ =	swait.ge @!p0 [sflag:s0], s1  }
0x2cd: {  	s1 =	ssub.s32 @!p0 $0x0, s1;
	[sflag:s0] =	ssyncset.done @!p0 $0x0  }
0x2ce: {  	[sflag:s0] =	ssyncadd.s32 @!p0 s1  }
0x2cf: {  	[bflag:$0x3] =	sbarrier.arrive $0xFFFF  }
0x2d0: {  	_ =	shalt  }

</sc_bundles>
